<compile_context>
chip_gen: v7x
topology: tpu7x:2x2x1
jax: 0.10.2.dev20260603
libtpu: 0.0.44.dev20260713+nightly
codegen_flags: <defaults>
</compile_context>

<pallas_src>
import functools
import math

import jax
import jax.numpy as jnp
from jax import lax
from jax.experimental import pallas as pl
from jax.experimental.pallas import tpu as pltpu
from jax.experimental.pallas import tpu_sc as plsc

_VOCAB = 1000000
_EMBED = 128
_BATCH = 4096
_HIST = 200
_B = _BATCH * _HIST

_NC = 2
_NS = 16
_NW = _NC * _NS
_B_PER_W = _B // _NW
_CHUNK = 40
_NBUF = 8
_NCHUNK = _B_PER_W // _CHUNK
_NROUND = _NCHUNK // _NBUF
_LANES = 16
_SCALE = float(math.sqrt(float(_EMBED)))

_mesh = plsc.VectorSubcoreMesh(core_axis_name="c", subcore_axis_name="s")


@functools.partial(
    pl.kernel,
    mesh=_mesh,
    out_type=jax.ShapeDtypeStruct((_B, _EMBED), jnp.float32),
    scratch_types=(
        [pltpu.VMEM((_B_PER_W,), jnp.int32)]
        + [pltpu.VMEM((_CHUNK, _EMBED), jnp.float32)] * (2 * _NBUF)
        + [pltpu.SemaphoreType.DMA] * (2 * _NBUF)
    ),
)
def _embed_sc(idx_hbm, table_hbm, out_hbm, idx_v, *bufs_and_sems):
    ins = bufs_and_sems[:_NBUF]
    outs = bufs_and_sems[_NBUF:2 * _NBUF]
    gsems = bufs_and_sems[2 * _NBUF:3 * _NBUF]
    ssems = bufs_and_sems[3 * _NBUF:]

    wid = lax.axis_index("s") * _NC + lax.axis_index("c")
    base = wid * _B_PER_W
    pltpu.sync_copy(idx_hbm.at[pl.ds(base, _B_PER_W)], idx_v)

    for b in range(_NBUF):
        pltpu.async_copy(
            table_hbm.at[idx_v.at[pl.ds(b * _CHUNK, _CHUNK)]], ins[b], gsems[b]
        )

    def round_body(h, carry):
        for b in range(_NBUF):
            g = _NBUF * h + b
            inb, outb, gsb, ssb = ins[b], outs[b], gsems[b], ssems[b]
            off = base + g * _CHUNK
            pltpu.make_async_copy(
                table_hbm.at[idx_v.at[pl.ds(g * _CHUNK, _CHUNK)]], inb, gsb
            ).wait()

            @pl.when(g >= _NBUF)
            def _wait_prev_scatter():
                pltpu.make_async_copy(
                    outb,
                    out_hbm.at[pl.ds(base + (g - _NBUF) * _CHUNK, _CHUNK)],
                    ssb,
                ).wait()

            def row_body(i, c):
                for j in range(_EMBED // _LANES):
                    sl = (i, pl.ds(j * _LANES, _LANES))
                    outb[sl] = inb[sl] * _SCALE
                return c

            lax.fori_loop(0, _CHUNK, row_body, 0)
            pltpu.async_copy(outb, out_hbm.at[pl.ds(off, _CHUNK)], ssb)

            @pl.when(g + _NBUF < _NCHUNK)
            def _next_gather():
                pltpu.async_copy(
                    table_hbm.at[idx_v.at[pl.ds((g + _NBUF) * _CHUNK, _CHUNK)]],
                    inb, gsb,
                )

        return carry

    lax.fori_loop(0, _NROUND, round_body, 0)

    for b in range(_NBUF):
        g = _NCHUNK - _NBUF + b
        pltpu.make_async_copy(
            outs[b], out_hbm.at[pl.ds(base + g * _CHUNK, _CHUNK)], ssems[b]
        ).wait()


def kernel(tokens, table):
    idx = tokens.reshape(-1)
    out = _embed_sc(idx, table)
    return out.reshape(_BATCH, _HIST, _EMBED)

# --- scband reference (transcript-rebuilt; emitter-appended) ---
"""Pipeline reference for scband-token-embedding-85804856639979 (READ-ONLY COPY).

The authoritative reference and input builder live on the scoring server;
editing this copy changes nothing except your own understanding.
"""

import jax, jax.numpy as jnp
import numpy as np
import math

VOCAB = 1000000
EMBED = 128
BATCH = 4096
HIST = 200

def setup_inputs(seed: int = 0) -> dict:
    key = jax.random.key(seed)
    k1, k2 = jax.random.split(key)
    tokens = jax.random.randint(k1, (BATCH, HIST), 0, VOCAB, dtype=jnp.int32)
    table = jax.random.normal(k2, (VOCAB, EMBED), dtype=jnp.float32)
    return {"tokens": tokens, "table": table}

def reference(tokens, table):
    # TokenEmbedding.forward: self.embedding(tokens.long()) * sqrt(embedding_size)
    emb = jnp.take(table, tokens, axis=0)
    return emb * jnp.float32(math.sqrt(EMBED))

if __name__ == "__main__":
    import jax
    _d = setup_inputs()
    print(jax.jit(kernel)(*tuple(_d.values())))

</pallas_src>

<mosaic_0001>
#map = affine_map<(d0, d1) -> (0)>
#map1 = affine_map<(d0, d1) -> (0, 0)>
module attributes {stable_mosaic.version = 14 : i64} {
  func.func @_embed_sc(%arg0: i32, %arg1: i32, %arg2: memref<819200xi32, #tpu.memory_space<hbm>>, %arg3: memref<1000000x128xf32, #tpu.memory_space<hbm>>, %arg4: memref<819200x128xf32, #tpu.memory_space<hbm>>, %arg5: memref<25600xi32, #tpu.memory_space<vmem>>, %arg6: memref<40x128xf32, #tpu.memory_space<vmem>>, %arg7: memref<40x128xf32, #tpu.memory_space<vmem>>, %arg8: memref<40x128xf32, #tpu.memory_space<vmem>>, %arg9: memref<40x128xf32, #tpu.memory_space<vmem>>, %arg10: memref<40x128xf32, #tpu.memory_space<vmem>>, %arg11: memref<40x128xf32, #tpu.memory_space<vmem>>, %arg12: memref<40x128xf32, #tpu.memory_space<vmem>>, %arg13: memref<40x128xf32, #tpu.memory_space<vmem>>, %arg14: memref<40x128xf32, #tpu.memory_space<vmem>>, %arg15: memref<40x128xf32, #tpu.memory_space<vmem>>, %arg16: memref<40x128xf32, #tpu.memory_space<vmem>>, %arg17: memref<40x128xf32, #tpu.memory_space<vmem>>, %arg18: memref<40x128xf32, #tpu.memory_space<vmem>>, %arg19: memref<40x128xf32, #tpu.memory_space<vmem>>, %arg20: memref<40x128xf32, #tpu.memory_space<vmem>>, %arg21: memref<40x128xf32, #tpu.memory_space<vmem>>, %arg22: memref<!tpu.dma_semaphore, #tpu.memory_space<semaphore_mem>>, %arg23: memref<!tpu.dma_semaphore, #tpu.memory_space<semaphore_mem>>, %arg24: memref<!tpu.dma_semaphore, #tpu.memory_space<semaphore_mem>>, %arg25: memref<!tpu.dma_semaphore, #tpu.memory_space<semaphore_mem>>, %arg26: memref<!tpu.dma_semaphore, #tpu.memory_space<semaphore_mem>>, %arg27: memref<!tpu.dma_semaphore, #tpu.memory_space<semaphore_mem>>, %arg28: memref<!tpu.dma_semaphore, #tpu.memory_space<semaphore_mem>>, %arg29: memref<!tpu.dma_semaphore, #tpu.memory_space<semaphore_mem>>, %arg30: memref<!tpu.dma_semaphore, #tpu.memory_space<semaphore_mem>>, %arg31: memref<!tpu.dma_semaphore, #tpu.memory_space<semaphore_mem>>, %arg32: memref<!tpu.dma_semaphore, #tpu.memory_space<semaphore_mem>>, %arg33: memref<!tpu.dma_semaphore, #tpu.memory_space<semaphore_mem>>, %arg34: memref<!tpu.dma_semaphore, #tpu.memory_space<semaphore_mem>>, %arg35: memref<!tpu.dma_semaphore, #tpu.memory_space<semaphore_mem>>, %arg36: memref<!tpu.dma_semaphore, #tpu.memory_space<semaphore_mem>>, %arg37: memref<!tpu.dma_semaphore, #tpu.memory_space<semaphore_mem>>) attributes {dimension_semantics = [#tpu.dimension_semantics<core_parallel>, #tpu.dimension_semantics<subcore_parallel>], iteration_bounds = array<i64: 2, 16>, scalar_prefetch = 0 : i64, scratch_operands = 33 : i64, tpu.core_type = #tpu.core_type<sc_vector_subcore>, window_params = [{transform_indices = #map}, {transform_indices = #map1}, {transform_indices = #map1}]} {
    %mul3A = arith.constant 2 : i32
    %mul3A_0 = arith.muli %arg1, %mul3A : i32
    %add3A = arith.addi %mul3A_0, %arg0 : i32
    %mul3A_1 = arith.constant 25600 : i32
    %mul3A_2 = arith.muli %add3A, %mul3A_1 : i32
    "tpu.region"() ({
      %run_scoped3A = tpu.sem_alloc : memref<!tpu.dma_semaphore, #tpu.memory_space<semaphore_mem>>
      %dma_start3A_94 = tpu.memref_slice %arg2[%mul3A_2] : memref<819200xi32, #tpu.memory_space<hbm>> -> memref<25600xi32, #tpu.memory_space<hbm>>
      %dma_start3A_95 = tpu.memref_slice %arg2[%mul3A_2] : memref<819200xi32, #tpu.memory_space<hbm>> -> memref<25600xi32, #tpu.memory_space<hbm>>
      tpu.enqueue_dma source(%dma_start3A_95 : memref<25600xi32, #tpu.memory_space<hbm>>) target(%arg5 : memref<25600xi32, #tpu.memory_space<vmem>>) target_semaphore(%run_scoped3A : memref<!tpu.dma_semaphore, #tpu.memory_space<semaphore_mem>>)
      %dma_wait3A_96 = tpu.memref_slice %arg2[%mul3A_2] : memref<819200xi32, #tpu.memory_space<hbm>> -> memref<25600xi32, #tpu.memory_space<hbm>>
      %dma_wait3A_97 = tpu.memref_slice %arg2[%mul3A_2] : memref<819200xi32, #tpu.memory_space<hbm>> -> memref<25600xi32, #tpu.memory_space<hbm>>
      tpu.wait_dma2 semaphore(%run_scoped3A : memref<!tpu.dma_semaphore, #tpu.memory_space<semaphore_mem>>) src(%dma_wait3A_97 : memref<25600xi32, #tpu.memory_space<hbm>>) dst(%arg5 : memref<25600xi32, #tpu.memory_space<vmem>>)
      tpu.yield
    }) : () -> ()
    %dma_start3A = arith.constant 0 : i32
    %dma_start3A_3 = tpu.memref_slice %arg5[%dma_start3A] : memref<25600xi32, #tpu.memory_space<vmem>> -> memref<40xi32, #tpu.memory_space<vmem>>
    %dma_start3A_4 = arith.constant 0 : i32
    %dma_start3A_5 = arith.constant 0 : i32
    %dma_start3A_6 = tpu.memref_slice %arg3[%dma_start3A_4, %dma_start3A_5] : memref<1000000x128xf32, #tpu.memory_space<hbm>> -> memref<1000000x128xf32, #tpu.memory_space<hbm>>
    tpu.enqueue_indirect_dma source(%dma_start3A_6 : memref<1000000x128xf32, #tpu.memory_space<hbm>>) target(%arg6 : memref<40x128xf32, #tpu.memory_space<vmem>>) offsets(%dma_start3A_3 : memref<40xi32, #tpu.memory_space<vmem>>) semaphore(%arg22 : memref<!tpu.dma_semaphore, #tpu.memory_space<semaphore_mem>>)
    %dma_start3A_7 = arith.constant 40 : i32
    %dma_start3A_8 = tpu.memref_slice %arg5[%dma_start3A_7] : memref<25600xi32, #tpu.memory_space<vmem>> -> memref<40xi32, #tpu.memory_space<vmem>>
    %dma_start3A_9 = arith.constant 0 : i32
    %dma_start3A_10 = arith.constant 0 : i32
    %dma_start3A_11 = tpu.memref_slice %arg3[%dma_start3A_9, %dma_start3A_10] : memref<1000000x128xf32, #tpu.memory_space<hbm>> -> memref<1000000x128xf32, #tpu.memory_space<hbm>>
    tpu.enqueue_indirect_dma source(%dma_start3A_11 : memref<1000000x128xf32, #tpu.memory_space<hbm>>) target(%arg7 : memref<40x128xf32, #tpu.memory_space<vmem>>) offsets(%dma_start3A_8 : memref<40xi32, #tpu.memory_space<vmem>>) semaphore(%arg23 : memref<!tpu.dma_semaphore, #tpu.memory_space<semaphore_mem>>)
    %dma_start3A_12 = arith.constant 80 : i32
    %dma_start3A_13 = tpu.memref_slice %arg5[%dma_start3A_12] : memref<25600xi32, #tpu.memory_space<vmem>> -> memref<40xi32, #tpu.memory_space<vmem>>
    %dma_start3A_14 = arith.constant 0 : i32
    %dma_start3A_15 = arith.constant 0 : i32
    %dma_start3A_16 = tpu.memref_slice %arg3[%dma_start3A_14, %dma_start3A_15] : memref<1000000x128xf32, #tpu.memory_space<hbm>> -> memref<1000000x128xf32, #tpu.memory_space<hbm>>
    tpu.enqueue_indirect_dma source(%dma_start3A_16 : memref<1000000x128xf32, #tpu.memory_space<hbm>>) target(%arg8 : memref<40x128xf32, #tpu.memory_space<vmem>>) offsets(%dma_start3A_13 : memref<40xi32, #tpu.memory_space<vmem>>) semaphore(%arg24 : memref<!tpu.dma_semaphore, #tpu.memory_space<semaphore_mem>>)
    %dma_start3A_17 = arith.constant 120 : i32
    %dma_start3A_18 = tpu.memref_slice %arg5[%dma_start3A_17] : memref<25600xi32, #tpu.memory_space<vmem>> -> memref<40xi32, #tpu.memory_space<vmem>>
    %dma_start3A_19 = arith.constant 0 : i32
    %dma_start3A_20 = arith.constant 0 : i32
    %dma_start3A_21 = tpu.memref_slice %arg3[%dma_start3A_19, %dma_start3A_20] : memref<1000000x128xf32, #tpu.memory_space<hbm>> -> memref<1000000x128xf32, #tpu.memory_space<hbm>>
    tpu.enqueue_indirect_dma source(%dma_start3A_21 : memref<1000000x128xf32, #tpu.memory_space<hbm>>) target(%arg9 : memref<40x128xf32, #tpu.memory_space<vmem>>) offsets(%dma_start3A_18 : memref<40xi32, #tpu.memory_space<vmem>>) semaphore(%arg25 : memref<!tpu.dma_semaphore, #tpu.memory_space<semaphore_mem>>)
    %dma_start3A_22 = arith.constant 160 : i32
    %dma_start3A_23 = tpu.memref_slice %arg5[%dma_start3A_22] : memref<25600xi32, #tpu.memory_space<vmem>> -> memref<40xi32, #tpu.memory_space<vmem>>
    %dma_start3A_24 = arith.constant 0 : i32
    %dma_start3A_25 = arith.constant 0 : i32
    %dma_start3A_26 = tpu.memref_slice %arg3[%dma_start3A_24, %dma_start3A_25] : memref<1000000x128xf32, #tpu.memory_space<hbm>> -> memref<1000000x128xf32, #tpu.memory_space<hbm>>
    tpu.enqueue_indirect_dma source(%dma_start3A_26 : memref<1000000x128xf32, #tpu.memory_space<hbm>>) target(%arg10 : memref<40x128xf32, #tpu.memory_space<vmem>>) offsets(%dma_start3A_23 : memref<40xi32, #tpu.memory_space<vmem>>) semaphore(%arg26 : memref<!tpu.dma_semaphore, #tpu.memory_space<semaphore_mem>>)
    %dma_start3A_27 = arith.constant 200 : i32
    %dma_start3A_28 = tpu.memref_slice %arg5[%dma_start3A_27] : memref<25600xi32, #tpu.memory_space<vmem>> -> memref<40xi32, #tpu.memory_space<vmem>>
    %dma_start3A_29 = arith.constant 0 : i32
    %dma_start3A_30 = arith.constant 0 : i32
    %dma_start3A_31 = tpu.memref_slice %arg3[%dma_start3A_29, %dma_start3A_30] : memref<1000000x128xf32, #tpu.memory_space<hbm>> -> memref<1000000x128xf32, #tpu.memory_space<hbm>>
    tpu.enqueue_indirect_dma source(%dma_start3A_31 : memref<1000000x128xf32, #tpu.memory_space<hbm>>) target(%arg11 : memref<40x128xf32, #tpu.memory_space<vmem>>) offsets(%dma_start3A_28 : memref<40xi32, #tpu.memory_space<vmem>>) semaphore(%arg27 : memref<!tpu.dma_semaphore, #tpu.memory_space<semaphore_mem>>)
    %dma_start3A_32 = arith.constant 240 : i32
    %dma_start3A_33 = tpu.memref_slice %arg5[%dma_start3A_32] : memref<25600xi32, #tpu.memory_space<vmem>> -> memref<40xi32, #tpu.memory_space<vmem>>
    %dma_start3A_34 = arith.constant 0 : i32
    %dma_start3A_35 = arith.constant 0 : i32
    %dma_start3A_36 = tpu.memref_slice %arg3[%dma_start3A_34, %dma_start3A_35] : memref<1000000x128xf32, #tpu.memory_space<hbm>> -> memref<1000000x128xf32, #tpu.memory_space<hbm>>
    tpu.enqueue_indirect_dma source(%dma_start3A_36 : memref<1000000x128xf32, #tpu.memory_space<hbm>>) target(%arg12 : memref<40x128xf32, #tpu.memory_space<vmem>>) offsets(%dma_start3A_33 : memref<40xi32, #tpu.memory_space<vmem>>) semaphore(%arg28 : memref<!tpu.dma_semaphore, #tpu.memory_space<semaphore_mem>>)
    %dma_start3A_37 = arith.constant 280 : i32
    %dma_start3A_38 = tpu.memref_slice %arg5[%dma_start3A_37] : memref<25600xi32, #tpu.memory_space<vmem>> -> memref<40xi32, #tpu.memory_space<vmem>>
    %dma_start3A_39 = arith.constant 0 : i32
    %dma_start3A_40 = arith.constant 0 : i32
    %dma_start3A_41 = tpu.memref_slice %arg3[%dma_start3A_39, %dma_start3A_40] : memref<1000000x128xf32, #tpu.memory_space<hbm>> -> memref<1000000x128xf32, #tpu.memory_space<hbm>>
    tpu.enqueue_indirect_dma source(%dma_start3A_41 : memref<1000000x128xf32, #tpu.memory_space<hbm>>) target(%arg13 : memref<40x128xf32, #tpu.memory_space<vmem>>) offsets(%dma_start3A_38 : memref<40xi32, #tpu.memory_space<vmem>>) semaphore(%arg29 : memref<!tpu.dma_semaphore, #tpu.memory_space<semaphore_mem>>)
    %scan3A = arith.constant 0 : i32
    %scan3A_42 = arith.constant 0 : i32
    %scan3A_43 = arith.constant 80 : i32
    %scan3A_44 = arith.addi %scan3A_42, %scan3A_43 : i32
    %scan3A_45 = arith.constant 1 : i32
    scf.for %scan3A_94 = %scan3A_42 to %scan3A_44 step %scan3A_45  : i32 {
      %mul3A_95 = arith.constant 8 : i32
      %mul3A_96 = arith.muli %mul3A_95, %scan3A_94 : i32
      %add3A_97 = arith.constant 0 : i32
      %add3A_98 = arith.addi %mul3A_96, %add3A_97 : i32
      %mul3A_99 = arith.constant 40 : i32
      %mul3A_100 = arith.muli %add3A_98, %mul3A_99 : i32
      %add3A_101 = arith.addi %mul3A_2, %mul3A_100 : i32
      %mul3A_102 = arith.constant 40 : i32
      %mul3A_103 = arith.muli %add3A_98, %mul3A_102 : i32
      %dma_wait3A_104 = tpu.memref_slice %arg5[%mul3A_103] : memref<25600xi32, #tpu.memory_space<vmem>> -> memref<40xi32, #tpu.memory_space<vmem>>
      %dma_wait3A_105 = arith.constant 0 : i32
      %dma_wait3A_106 = arith.constant 0 : i32
      %dma_wait3A_107 = tpu.memref_slice %arg3[%dma_wait3A_105, %dma_wait3A_106] : memref<1000000x128xf32, #tpu.memory_space<hbm>> -> memref<1000000x128xf32, #tpu.memory_space<hbm>>
      tpu.wait_indirect_dma semaphore(%arg22 : memref<!tpu.dma_semaphore, #tpu.memory_space<semaphore_mem>>) src(%dma_wait3A_107 : memref<1000000x128xf32, #tpu.memory_space<hbm>>) dst(%arg6 : memref<40x128xf32, #tpu.memory_space<vmem>>)
      %ge3A = arith.constant 8 : i32
      %ge3A_108 = arith.cmpi sge, %add3A_98, %ge3A : i32
      %convert_element_type3A = arith.extui %ge3A_108 : i1 to i32
      %cond3A = arith.constant 0 : i32
      %cond3A_109 = arith.cmpi ne, %convert_element_type3A, %cond3A : i32
      scf.if %cond3A_109 {
        %sub3A = arith.constant 8 : i32
        %sub3A_371 = arith.subi %add3A_98, %sub3A : i32
        %mul3A_372 = arith.constant 40 : i32
        %mul3A_373 = arith.muli %sub3A_371, %mul3A_372 : i32
        %add3A_374 = arith.addi %mul3A_2, %mul3A_373 : i32
        %dma_wait3A_375 = arith.constant 0 : i32
        %dma_wait3A_376 = tpu.memref_slice %arg4[%add3A_374, %dma_wait3A_375] : memref<819200x128xf32, #tpu.memory_space<hbm>> -> memref<40x128xf32, #tpu.memory_space<hbm>>
        %dma_wait3A_377 = arith.constant 0 : i32
        %dma_wait3A_378 = tpu.memref_slice %arg4[%add3A_374, %dma_wait3A_377] : memref<819200x128xf32, #tpu.memory_space<hbm>> -> memref<40x128xf32, #tpu.memory_space<hbm>>
        tpu.wait_dma2 semaphore(%arg30 : memref<!tpu.dma_semaphore, #tpu.memory_space<semaphore_mem>>) src(%arg14 : memref<40x128xf32, #tpu.memory_space<vmem>>) dst(%dma_wait3A_378 : memref<40x128xf32, #tpu.memory_space<hbm>>)
      } else {
      }
      %scan3A_110 = arith.constant 0 : i32
      %scan3A_111 = arith.constant 0 : i32
      %scan3A_112 = arith.constant 40 : i32
      %scan3A_113 = arith.addi %scan3A_111, %scan3A_112 : i32
      %scan3A_114 = arith.constant 1 : i32
      scf.for %scan3A_371 = %scan3A_111 to %scan3A_113 step %scan3A_114  : i32 {
        %get3A = arith.index_cast %scan3A_371 : i32 to index
        %get3A_372 = arith.constant 0 : index
        %get3A_373 = tpu.vector_load %arg6[%get3A, %get3A_372] {strides = array<i32>} : memref<40x128xf32, #tpu.memory_space<vmem>>, vector<1x16xf32>,
        %get3A_374 = vector.shape_cast %get3A_373 : vector<1x16xf32> to vector<16xf32>
        %mul3A_375 = arith.constant 11.3137083 : f32
        %mul3A_376 = vector.broadcast %mul3A_375 : f32 to vector<16xf32>
        %mul3A_377 = arith.mulf %get3A_374, %mul3A_376 : vector<16xf32>
        %swap3A = arith.index_cast %scan3A_371 : i32 to index
        %swap3A_378 = arith.constant 0 : index
        %swap3A_379 = tpu.vector_load %arg14[%swap3A, %swap3A_378] {strides = array<i32>} : memref<40x128xf32, #tpu.memory_space<vmem>>, vector<1x16xf32>,
        %swap3A_380 = vector.shape_cast %swap3A_379 : vector<1x16xf32> to vector<16xf32>
        %swap3A_381 = vector.shape_cast %mul3A_377 : vector<16xf32> to vector<1x16xf32>
        tpu.vector_store %arg14[%swap3A, %swap3A_378], %swap3A_381 {strides = array<i32>} : memref<40x128xf32, #tpu.memory_space<vmem>>, vector<1x16xf32>,
        %get3A_382 = arith.index_cast %scan3A_371 : i32 to index
        %get3A_383 = arith.constant 16 : index
        %get3A_384 = tpu.vector_load %arg6[%get3A_382, %get3A_383] {strides = array<i32>} : memref<40x128xf32, #tpu.memory_space<vmem>>, vector<1x16xf32>,
        %get3A_385 = vector.shape_cast %get3A_384 : vector<1x16xf32> to vector<16xf32>
        %mul3A_386 = arith.constant 11.3137083 : f32
        %mul3A_387 = vector.broadcast %mul3A_386 : f32 to vector<16xf32>
        %mul3A_388 = arith.mulf %get3A_385, %mul3A_387 : vector<16xf32>
        %swap3A_389 = arith.index_cast %scan3A_371 : i32 to index
        %swap3A_390 = arith.constant 16 : index
        %swap3A_391 = tpu.vector_load %arg14[%swap3A_389, %swap3A_390] {strides = array<i32>} : memref<40x128xf32, #tpu.memory_space<vmem>>, vector<1x16xf32>,
        %swap3A_392 = vector.shape_cast %swap3A_391 : vector<1x16xf32> to vector<16xf32>
        %swap3A_393 = vector.shape_cast %mul3A_388 : vector<16xf32> to vector<1x16xf32>
        tpu.vector_store %arg14[%swap3A_389, %swap3A_390], %swap3A_393 {strides = array<i32>} : memref<40x128xf32, #tpu.memory_space<vmem>>, vector<1x16xf32>,
        %get3A_394 = arith.index_cast %scan3A_371 : i32 to index
        %get3A_395 = arith.constant 32 : index
        %get3A_396 = tpu.vector_load %arg6[%get3A_394, %get3A_395] {strides = array<i32>} : memref<40x128xf32, #tpu.memory_space<vmem>>, vector<1x16xf32>,
        %get3A_397 = vector.shape_cast %get3A_396 : vector<1x16xf32> to vector<16xf32>
        %mul3A_398 = arith.constant 11.3137083 : f32
        %mul3A_399 = vector.broadcast %mul3A_398 : f32 to vector<16xf32>
        %mul3A_400 = arith.mulf %get3A_397, %mul3A_399 : vector<16xf32>
        %swap3A_401 = arith.index_cast %scan3A_371 : i32 to index
        %swap3A_402 = arith.constant 32 : index
        %swap3A_403 = tpu.vector_load %arg14[%swap3A_401, %swap3A_402] {strides = array<i32>} : memref<40x128xf32, #tpu.memory_space<vmem>>, vector<1x16xf32>,
        %swap3A_404 = vector.shape_cast %swap3A_403 : vector<1x16xf32> to vector<16xf32>
        %swap3A_405 = vector.shape_cast %mul3A_400 : vector<16xf32> to vector<1x16xf32>
        tpu.vector_store %arg14[%swap3A_401, %swap3A_402], %swap3A_405 {strides = array<i32>} : memref<40x128xf32, #tpu.memory_space<vmem>>, vector<1x16xf32>,
        %get3A_406 = arith.index_cast %scan3A_371 : i32 to index
        %get3A_407 = arith.constant 48 : index
        %get3A_408 = tpu.vector_load %arg6[%get3A_406, %get3A_407] {strides = array<i32>} : memref<40x128xf32, #tpu.memory_space<vmem>>, vector<1x16xf32>,
        %get3A_409 = vector.shape_cast %get3A_408 : vector<1x16xf32> to vector<16xf32>
        %mul3A_410 = arith.constant 11.3137083 : f32
        %mul3A_411 = vector.broadcast %mul3A_410 : f32 to vector<16xf32>
        %mul3A_412 = arith.mulf %get3A_409, %mul3A_411 : vector<16xf32>
        %swap3A_413 = arith.index_cast %scan3A_371 : i32 to index
        %swap3A_414 = arith.constant 48 : index
        %swap3A_415 = tpu.vector_load %arg14[%swap3A_413, %swap3A_414] {strides = array<i32>} : memref<40x128xf32, #tpu.memory_space<vmem>>, vector<1x16xf32>,
        %swap3A_416 = vector.shape_cast %swap3A_415 : vector<1x16xf32> to vector<16xf32>
        %swap3A_417 = vector.shape_cast %mul3A_412 : vector<16xf32> to vector<1x16xf32>
        tpu.vector_store %arg14[%swap3A_413, %swap3A_414], %swap3A_417 {strides = array<i32>} : memref<40x128xf32, #tpu.memory_space<vmem>>, vector<1x16xf32>,
        %get3A_418 = arith.index_cast %scan3A_371 : i32 to index
        %get3A_419 = arith.constant 64 : index
        %get3A_420 = tpu.vector_load %arg6[%get3A_418, %get3A_419] {strides = array<i32>} : memref<40x128xf32, #tpu.memory_space<vmem>>, vector<1x16xf32>,
        %get3A_421 = vector.shape_cast %get3A_420 : vector<1x16xf32> to vector<16xf32>
        %mul3A_422 = arith.constant 11.3137083 : f32
        %mul3A_423 = vector.broadcast %mul3A_422 : f32 to vector<16xf32>
        %mul3A_424 = arith.mulf %get3A_421, %mul3A_423 : vector<16xf32>
        %swap3A_425 = arith.index_cast %scan3A_371 : i32 to index
        %swap3A_426 = arith.constant 64 : index
        %swap3A_427 = tpu.vector_load %arg14[%swap3A_425, %swap3A_426] {strides = array<i32>} : memref<40x128xf32, #tpu.memory_space<vmem>>, vector<1x16xf32>,
        %swap3A_428 = vector.shape_cast %swap3A_427 : vector<1x16xf32> to vector<16xf32>
        %swap3A_429 = vector.shape_cast %mul3A_424 : vector<16xf32> to vector<1x16xf32>
        tpu.vector_store %arg14[%swap3A_425, %swap3A_426], %swap3A_429 {strides = array<i32>} : memref<40x128xf32, #tpu.memory_space<vmem>>, vector<1x16xf32>,
        %get3A_430 = arith.index_cast %scan3A_371 : i32 to index
        %get3A_431 = arith.constant 80 : index
        %get3A_432 = tpu.vector_load %arg6[%get3A_430, %get3A_431] {strides = array<i32>} : memref<40x128xf32, #tpu.memory_space<vmem>>, vector<1x16xf32>,
        %get3A_433 = vector.shape_cast %get3A_432 : vector<1x16xf32> to vector<16xf32>
        %mul3A_434 = arith.constant 11.3137083 : f32
        %mul3A_435 = vector.broadcast %mul3A_434 : f32 to vector<16xf32>
        %mul3A_436 = arith.mulf %get3A_433, %mul3A_435 : vector<16xf32>
        %swap3A_437 = arith.index_cast %scan3A_371 : i32 to index
        %swap3A_438 = arith.constant 80 : index
        %swap3A_439 = tpu.vector_load %arg14[%swap3A_437, %swap3A_438] {strides = array<i32>} : memref<40x128xf32, #tpu.memory_space<vmem>>, vector<1x16xf32>,
        %swap3A_440 = vector.shape_cast %swap3A_439 : vector<1x16xf32> to vector<16xf32>
        %swap3A_441 = vector.shape_cast %mul3A_436 : vector<16xf32> to vector<1x16xf32>
        tpu.vector_store %arg14[%swap3A_437, %swap3A_438], %swap3A_441 {strides = array<i32>} : memref<40x128xf32, #tpu.memory_space<vmem>>, vector<1x16xf32>,
        %get3A_442 = arith.index_cast %scan3A_371 : i32 to index
        %get3A_443 = arith.constant 96 : index
        %get3A_444 = tpu.vector_load %arg6[%get3A_442, %get3A_443] {strides = array<i32>} : memref<40x128xf32, #tpu.memory_space<vmem>>, vector<1x16xf32>,
        %get3A_445 = vector.shape_cast %get3A_444 : vector<1x16xf32> to vector<16xf32>
        %mul3A_446 = arith.constant 11.3137083 : f32
        %mul3A_447 = vector.broadcast %mul3A_446 : f32 to vector<16xf32>
        %mul3A_448 = arith.mulf %get3A_445, %mul3A_447 : vector<16xf32>
        %swap3A_449 = arith.index_cast %scan3A_371 : i32 to index
        %swap3A_450 = arith.constant 96 : index
        %swap3A_451 = tpu.vector_load %arg14[%swap3A_449, %swap3A_450] {strides = array<i32>} : memref<40x128xf32, #tpu.memory_space<vmem>>, vector<1x16xf32>,
        %swap3A_452 = vector.shape_cast %swap3A_451 : vector<1x16xf32> to vector<16xf32>
        %swap3A_453 = vector.shape_cast %mul3A_448 : vector<16xf32> to vector<1x16xf32>
        tpu.vector_store %arg14[%swap3A_449, %swap3A_450], %swap3A_453 {strides = array<i32>} : memref<40x128xf32, #tpu.memory_space<vmem>>, vector<1x16xf32>,
        %get3A_454 = arith.index_cast %scan3A_371 : i32 to index
        %get3A_455 = arith.constant 112 : index
        %get3A_456 = tpu.vector_load %arg6[%get3A_454, %get3A_455] {strides = array<i32>} : memref<40x128xf32, #tpu.memory_space<vmem>>, vector<1x16xf32>,
        %get3A_457 = vector.shape_cast %get3A_456 : vector<1x16xf32> to vector<16xf32>
        %mul3A_458 = arith.constant 11.3137083 : f32
        %mul3A_459 = vector.broadcast %mul3A_458 : f32 to vector<16xf32>
        %mul3A_460 = arith.mulf %get3A_457, %mul3A_459 : vector<16xf32>
        %swap3A_461 = arith.index_cast %scan3A_371 : i32 to index
        %swap3A_462 = arith.constant 112 : index
        %swap3A_463 = tpu.vector_load %arg14[%swap3A_461, %swap3A_462] {strides = array<i32>} : memref<40x128xf32, #tpu.memory_space<vmem>>, vector<1x16xf32>,
        %swap3A_464 = vector.shape_cast %swap3A_463 : vector<1x16xf32> to vector<16xf32>
        %swap3A_465 = vector.shape_cast %mul3A_460 : vector<16xf32> to vector<1x16xf32>
        tpu.vector_store %arg14[%swap3A_461, %swap3A_462], %swap3A_465 {strides = array<i32>} : memref<40x128xf32, #tpu.memory_space<vmem>>, vector<1x16xf32>,
      }
      %scan3A_115 = arith.constant 40 : i32
      %dma_start3A_116 = arith.constant 0 : i32
      %dma_start3A_117 = tpu.memref_slice %arg4[%add3A_101, %dma_start3A_116] : memref<819200x128xf32, #tpu.memory_space<hbm>> -> memref<40x128xf32, #tpu.memory_space<hbm>>
      %dma_start3A_118 = arith.constant 0 : i32
      %dma_start3A_119 = tpu.memref_slice %arg4[%add3A_101, %dma_start3A_118] : memref<819200x128xf32, #tpu.memory_space<hbm>> -> memref<40x128xf32, #tpu.memory_space<hbm>>
      tpu.enqueue_dma source(%arg14 : memref<40x128xf32, #tpu.memory_space<vmem>>) target(%dma_start3A_119 : memref<40x128xf32, #tpu.memory_space<hbm>>) target_semaphore(%arg30 : memref<!tpu.dma_semaphore, #tpu.memory_space<semaphore_mem>>)
      %add3A_120 = arith.constant 8 : i32
      %add3A_121 = arith.addi %add3A_98, %add3A_120 : i32
      %lt3A = arith.constant 640 : i32
      %lt3A_122 = arith.cmpi slt, %add3A_121, %lt3A : i32
      %convert_element_type3A_123 = arith.extui %lt3A_122 : i1 to i32
      %cond3A_124 = arith.constant 0 : i32
      %cond3A_125 = arith.cmpi ne, %convert_element_type3A_123, %cond3A_124 : i32
      scf.if %cond3A_125 {
        %add3A_371 = arith.constant 8 : i32
        %add3A_372 = arith.addi %add3A_98, %add3A_371 : i32
        %mul3A_373 = arith.constant 40 : i32
        %mul3A_374 = arith.muli %add3A_372, %mul3A_373 : i32
        %dma_start3A_375 = tpu.memref_slice %arg5[%mul3A_374] : memref<25600xi32, #tpu.memory_space<vmem>> -> memref<40xi32, #tpu.memory_space<vmem>>
        %dma_start3A_376 = arith.constant 0 : i32
        %dma_start3A_377 = arith.constant 0 : i32
        %dma_start3A_378 = tpu.memref_slice %arg3[%dma_start3A_376, %dma_start3A_377] : memref<1000000x128xf32, #tpu.memory_space<hbm>> -> memref<1000000x128xf32, #tpu.memory_space<hbm>>
        tpu.enqueue_indirect_dma source(%dma_start3A_378 : memref<1000000x128xf32, #tpu.memory_space<hbm>>) target(%arg6 : memref<40x128xf32, #tpu.memory_space<vmem>>) offsets(%dma_start3A_375 : memref<40xi32, #tpu.memory_space<vmem>>) semaphore(%arg22 : memref<!tpu.dma_semaphore, #tpu.memory_space<semaphore_mem>>)
      } else {
      }
      %mul3A_126 = arith.constant 8 : i32
      %mul3A_127 = arith.muli %mul3A_126, %scan3A_94 : i32
      %add3A_128 = arith.constant 1 : i32
      %add3A_129 = arith.addi %mul3A_127, %add3A_128 : i32
      %mul3A_130 = arith.constant 40 : i32
      %mul3A_131 = arith.muli %add3A_129, %mul3A_130 : i32
      %add3A_132 = arith.addi %mul3A_2, %mul3A_131 : i32
      %mul3A_133 = arith.constant 40 : i32
      %mul3A_134 = arith.muli %add3A_129, %mul3A_133 : i32
      %dma_wait3A_135 = tpu.memref_slice %arg5[%mul3A_134] : memref<25600xi32, #tpu.memory_space<vmem>> -> memref<40xi32, #tpu.memory_space<vmem>>
      %dma_wait3A_136 = arith.constant 0 : i32
      %dma_wait3A_137 = arith.constant 0 : i32
      %dma_wait3A_138 = tpu.memref_slice %arg3[%dma_wait3A_136, %dma_wait3A_137] : memref<1000000x128xf32, #tpu.memory_space<hbm>> -> memref<1000000x128xf32, #tpu.memory_space<hbm>>
      tpu.wait_indirect_dma semaphore(%arg23 : memref<!tpu.dma_semaphore, #tpu.memory_space<semaphore_mem>>) src(%dma_wait3A_138 : memref<1000000x128xf32, #tpu.memory_space<hbm>>) dst(%arg7 : memref<40x128xf32, #tpu.memory_space<vmem>>)
      %ge3A_139 = arith.constant 8 : i32
      %ge3A_140 = arith.cmpi sge, %add3A_129, %ge3A_139 : i32
      %convert_element_type3A_141 = arith.extui %ge3A_140 : i1 to i32
      %cond3A_142 = arith.constant 0 : i32
      %cond3A_143 = arith.cmpi ne, %convert_element_type3A_141, %cond3A_142 : i32
      scf.if %cond3A_143 {
        %sub3A = arith.constant 8 : i32
        %sub3A_371 = arith.subi %add3A_129, %sub3A : i32
        %mul3A_372 = arith.constant 40 : i32
        %mul3A_373 = arith.muli %sub3A_371, %mul3A_372 : i32
        %add3A_374 = arith.addi %mul3A_2, %mul3A_373 : i32
        %dma_wait3A_375 = arith.constant 0 : i32
        %dma_wait3A_376 = tpu.memref_slice %arg4[%add3A_374, %dma_wait3A_375] : memref<819200x128xf32, #tpu.memory_space<hbm>> -> memref<40x128xf32, #tpu.memory_space<hbm>>
        %dma_wait3A_377 = arith.constant 0 : i32
        %dma_wait3A_378 = tpu.memref_slice %arg4[%add3A_374, %dma_wait3A_377] : memref<819200x128xf32, #tpu.memory_space<hbm>> -> memref<40x128xf32, #tpu.memory_space<hbm>>
        tpu.wait_dma2 semaphore(%arg31 : memref<!tpu.dma_semaphore, #tpu.memory_space<semaphore_mem>>) src(%arg15 : memref<40x128xf32, #tpu.memory_space<vmem>>) dst(%dma_wait3A_378 : memref<40x128xf32, #tpu.memory_space<hbm>>)
      } else {
      }
      %scan3A_144 = arith.constant 0 : i32
      %scan3A_145 = arith.constant 0 : i32
      %scan3A_146 = arith.constant 40 : i32
      %scan3A_147 = arith.addi %scan3A_145, %scan3A_146 : i32
      %scan3A_148 = arith.constant 1 : i32
      scf.for %scan3A_371 = %scan3A_145 to %scan3A_147 step %scan3A_148  : i32 {
        %get3A = arith.index_cast %scan3A_371 : i32 to index
        %get3A_372 = arith.constant 0 : index
        %get3A_373 = tpu.vector_load %arg7[%get3A, %get3A_372] {strides = array<i32>} : memref<40x128xf32, #tpu.memory_space<vmem>>, vector<1x16xf32>,
        %get3A_374 = vector.shape_cast %get3A_373 : vector<1x16xf32> to vector<16xf32>
        %mul3A_375 = arith.constant 11.3137083 : f32
        %mul3A_376 = vector.broadcast %mul3A_375 : f32 to vector<16xf32>
        %mul3A_377 = arith.mulf %get3A_374, %mul3A_376 : vector<16xf32>
        %swap3A = arith.index_cast %scan3A_371 : i32 to index
        %swap3A_378 = arith.constant 0 : index
        %swap3A_379 = tpu.vector_load %arg15[%swap3A, %swap3A_378] {strides = array<i32>} : memref<40x128xf32, #tpu.memory_space<vmem>>, vector<1x16xf32>,
        %swap3A_380 = vector.shape_cast %swap3A_379 : vector<1x16xf32> to vector<16xf32>
        %swap3A_381 = vector.shape_cast %mul3A_377 : vector<16xf32> to vector<1x16xf32>
        tpu.vector_store %arg15[%swap3A, %swap3A_378], %swap3A_381 {strides = array<i32>} : memref<40x128xf32, #tpu.memory_space<vmem>>, vector<1x16xf32>,
        %get3A_382 = arith.index_cast %scan3A_371 : i32 to index
        %get3A_383 = arith.constant 16 : index
        %get3A_384 = tpu.vector_load %arg7[%get3A_382, %get3A_383] {strides = array<i32>} : memref<40x128xf32, #tpu.memory_space<vmem>>, vector<1x16xf32>,
        %get3A_385 = vector.shape_cast %get3A_384 : vector<1x16xf32> to vector<16xf32>
        %mul3A_386 = arith.constant 11.3137083 : f32
        %mul3A_387 = vector.broadcast %mul3A_386 : f32 to vector<16xf32>
        %mul3A_388 = arith.mulf %get3A_385, %mul3A_387 : vector<16xf32>
        %swap3A_389 = arith.index_cast %scan3A_371 : i32 to index
        %swap3A_390 = arith.constant 16 : index
        %swap3A_391 = tpu.vector_load %arg15[%swap3A_389, %swap3A_390] {strides = array<i32>} : memref<40x128xf32, #tpu.memory_space<vmem>>, vector<1x16xf32>,
        %swap3A_392 = vector.shape_cast %swap3A_391 : vector<1x16xf32> to vector<16xf32>
        %swap3A_393 = vector.shape_cast %mul3A_388 : vector<16xf32> to vector<1x16xf32>
        tpu.vector_store %arg15[%swap3A_389, %swap3A_390], %swap3A_393 {strides = array<i32>} : memref<40x128xf32, #tpu.memory_space<vmem>>, vector<1x16xf32>,
        %get3A_394 = arith.index_cast %scan3A_371 : i32 to index
        %get3A_395 = arith.constant 32 : index
        %get3A_396 = tpu.vector_load %arg7[%get3A_394, %get3A_395] {strides = array<i32>} : memref<40x128xf32, #tpu.memory_space<vmem>>, vector<1x16xf32>,
        %get3A_397 = vector.shape_cast %get3A_396 : vector<1x16xf32> to vector<16xf32>
        %mul3A_398 = arith.constant 11.3137083 : f32
        %mul3A_399 = vector.broadcast %mul3A_398 : f32 to vector<16xf32>
        %mul3A_400 = arith.mulf %get3A_397, %mul3A_399 : vector<16xf32>
        %swap3A_401 = arith.index_cast %scan3A_371 : i32 to index
        %swap3A_402 = arith.constant 32 : index
        %swap3A_403 = tpu.vector_load %arg15[%swap3A_401, %swap3A_402] {strides = array<i32>} : memref<40x128xf32, #tpu.memory_space<vmem>>, vector<1x16xf32>,
        %swap3A_404 = vector.shape_cast %swap3A_403 : vector<1x16xf32> to vector<16xf32>
        %swap3A_405 = vector.shape_cast %mul3A_400 : vector<16xf32> to vector<1x16xf32>
        tpu.vector_store %arg15[%swap3A_401, %swap3A_402], %swap3A_405 {strides = array<i32>} : memref<40x128xf32, #tpu.memory_space<vmem>>, vector<1x16xf32>,
        %get3A_406 = arith.index_cast %scan3A_371 : i32 to index
        %get3A_407 = arith.constant 48 : index
        %get3A_408 = tpu.vector_load %arg7[%get3A_406, %get3A_407] {strides = array<i32>} : memref<40x128xf32, #tpu.memory_space<vmem>>, vector<1x16xf32>,
        %get3A_409 = vector.shape_cast %get3A_408 : vector<1x16xf32> to vector<16xf32>
        %mul3A_410 = arith.constant 11.3137083 : f32
        %mul3A_411 = vector.broadcast %mul3A_410 : f32 to vector<16xf32>
        %mul3A_412 = arith.mulf %get3A_409, %mul3A_411 : vector<16xf32>
        %swap3A_413 = arith.index_cast %scan3A_371 : i32 to index
        %swap3A_414 = arith.constant 48 : index
        %swap3A_415 = tpu.vector_load %arg15[%swap3A_413, %swap3A_414] {strides = array<i32>} : memref<40x128xf32, #tpu.memory_space<vmem>>, vector<1x16xf32>,
        %swap3A_416 = vector.shape_cast %swap3A_415 : vector<1x16xf32> to vector<16xf32>
        %swap3A_417 = vector.shape_cast %mul3A_412 : vector<16xf32> to vector<1x16xf32>
        tpu.vector_store %arg15[%swap3A_413, %swap3A_414], %swap3A_417 {strides = array<i32>} : memref<40x128xf32, #tpu.memory_space<vmem>>, vector<1x16xf32>,
        %get3A_418 = arith.index_cast %scan3A_371 : i32 to index
        %get3A_419 = arith.constant 64 : index
        %get3A_420 = tpu.vector_load %arg7[%get3A_418, %get3A_419] {strides = array<i32>} : memref<40x128xf32, #tpu.memory_space<vmem>>, vector<1x16xf32>,
        %get3A_421 = vector.shape_cast %get3A_420 : vector<1x16xf32> to vector<16xf32>
        %mul3A_422 = arith.constant 11.3137083 : f32
        %mul3A_423 = vector.broadcast %mul3A_422 : f32 to vector<16xf32>
        %mul3A_424 = arith.mulf %get3A_421, %mul3A_423 : vector<16xf32>
        %swap3A_425 = arith.index_cast %scan3A_371 : i32 to index
        %swap3A_426 = arith.constant 64 : index
        %swap3A_427 = tpu.vector_load %arg15[%swap3A_425, %swap3A_426] {strides = array<i32>} : memref<40x128xf32, #tpu.memory_space<vmem>>, vector<1x16xf32>,
        %swap3A_428 = vector.shape_cast %swap3A_427 : vector<1x16xf32> to vector<16xf32>
        %swap3A_429 = vector.shape_cast %mul3A_424 : vector<16xf32> to vector<1x16xf32>
        tpu.vector_store %arg15[%swap3A_425, %swap3A_426], %swap3A_429 {strides = array<i32>} : memref<40x128xf32, #tpu.memory_space<vmem>>, vector<1x16xf32>,
        %get3A_430 = arith.index_cast %scan3A_371 : i32 to index
        %get3A_431 = arith.constant 80 : index
        %get3A_432 = tpu.vector_load %arg7[%get3A_430, %get3A_431] {strides = array<i32>} : memref<40x128xf32, #tpu.memory_space<vmem>>, vector<1x16xf32>,
        %get3A_433 = vector.shape_cast %get3A_432 : vector<1x16xf32> to vector<16xf32>
        %mul3A_434 = arith.constant 11.3137083 : f32
        %mul3A_435 = vector.broadcast %mul3A_434 : f32 to vector<16xf32>
        %mul3A_436 = arith.mulf %get3A_433, %mul3A_435 : vector<16xf32>
        %swap3A_437 = arith.index_cast %scan3A_371 : i32 to index
        %swap3A_438 = arith.constant 80 : index
        %swap3A_439 = tpu.vector_load %arg15[%swap3A_437, %swap3A_438] {strides = array<i32>} : memref<40x128xf32, #tpu.memory_space<vmem>>, vector<1x16xf32>,
        %swap3A_440 = vector.shape_cast %swap3A_439 : vector<1x16xf32> to vector<16xf32>
        %swap3A_441 = vector.shape_cast %mul3A_436 : vector<16xf32> to vector<1x16xf32>
        tpu.vector_store %arg15[%swap3A_437, %swap3A_438], %swap3A_441 {strides = array<i32>} : memref<40x128xf32, #tpu.memory_space<vmem>>, vector<1x16xf32>,
        %get3A_442 = arith.index_cast %scan3A_371 : i32 to index
        %get3A_443 = arith.constant 96 : index
        %get3A_444 = tpu.vector_load %arg7[%get3A_442, %get3A_443] {strides = array<i32>} : memref<40x128xf32, #tpu.memory_space<vmem>>, vector<1x16xf32>,
        %get3A_445 = vector.shape_cast %get3A_444 : vector<1x16xf32> to vector<16xf32>
        %mul3A_446 = arith.constant 11.3137083 : f32
        %mul3A_447 = vector.broadcast %mul3A_446 : f32 to vector<16xf32>
        %mul3A_448 = arith.mulf %get3A_445, %mul3A_447 : vector<16xf32>
        %swap3A_449 = arith.index_cast %scan3A_371 : i32 to index
        %swap3A_450 = arith.constant 96 : index
        %swap3A_451 = tpu.vector_load %arg15[%swap3A_449, %swap3A_450] {strides = array<i32>} : memref<40x128xf32, #tpu.memory_space<vmem>>, vector<1x16xf32>,
        %swap3A_452 = vector.shape_cast %swap3A_451 : vector<1x16xf32> to vector<16xf32>
        %swap3A_453 = vector.shape_cast %mul3A_448 : vector<16xf32> to vector<1x16xf32>
        tpu.vector_store %arg15[%swap3A_449, %swap3A_450], %swap3A_453 {strides = array<i32>} : memref<40x128xf32, #tpu.memory_space<vmem>>, vector<1x16xf32>,
        %get3A_454 = arith.index_cast %scan3A_371 : i32 to index
        %get3A_455 = arith.constant 112 : index
        %get3A_456 = tpu.vector_load %arg7[%get3A_454, %get3A_455] {strides = array<i32>} : memref<40x128xf32, #tpu.memory_space<vmem>>, vector<1x16xf32>,
        %get3A_457 = vector.shape_cast %get3A_456 : vector<1x16xf32> to vector<16xf32>
        %mul3A_458 = arith.constant 11.3137083 : f32
        %mul3A_459 = vector.broadcast %mul3A_458 : f32 to vector<16xf32>
        %mul3A_460 = arith.mulf %get3A_457, %mul3A_459 : vector<16xf32>
        %swap3A_461 = arith.index_cast %scan3A_371 : i32 to index
        %swap3A_462 = arith.constant 112 : index
        %swap3A_463 = tpu.vector_load %arg15[%swap3A_461, %swap3A_462] {strides = array<i32>} : memref<40x128xf32, #tpu.memory_space<vmem>>, vector<1x16xf32>,
        %swap3A_464 = vector.shape_cast %swap3A_463 : vector<1x16xf32> to vector<16xf32>
        %swap3A_465 = vector.shape_cast %mul3A_460 : vector<16xf32> to vector<1x16xf32>
        tpu.vector_store %arg15[%swap3A_461, %swap3A_462], %swap3A_465 {strides = array<i32>} : memref<40x128xf32, #tpu.memory_space<vmem>>, vector<1x16xf32>,
      }
      %scan3A_149 = arith.constant 40 : i32
      %dma_start3A_150 = arith.constant 0 : i32
      %dma_start3A_151 = tpu.memref_slice %arg4[%add3A_132, %dma_start3A_150] : memref<819200x128xf32, #tpu.memory_space<hbm>> -> memref<40x128xf32, #tpu.memory_space<hbm>>
      %dma_start3A_152 = arith.constant 0 : i32
      %dma_start3A_153 = tpu.memref_slice %arg4[%add3A_132, %dma_start3A_152] : memref<819200x128xf32, #tpu.memory_space<hbm>> -> memref<40x128xf32, #tpu.memory_space<hbm>>
      tpu.enqueue_dma source(%arg15 : memref<40x128xf32, #tpu.memory_space<vmem>>) target(%dma_start3A_153 : memref<40x128xf32, #tpu.memory_space<hbm>>) target_semaphore(%arg31 : memref<!tpu.dma_semaphore, #tpu.memory_space<semaphore_mem>>)
      %add3A_154 = arith.constant 8 : i32
      %add3A_155 = arith.addi %add3A_129, %add3A_154 : i32
      %lt3A_156 = arith.constant 640 : i32
      %lt3A_157 = arith.cmpi slt, %add3A_155, %lt3A_156 : i32
      %convert_element_type3A_158 = arith.extui %lt3A_157 : i1 to i32
      %cond3A_159 = arith.constant 0 : i32
      %cond3A_160 = arith.cmpi ne, %convert_element_type3A_158, %cond3A_159 : i32
      scf.if %cond3A_160 {
        %add3A_371 = arith.constant 8 : i32
        %add3A_372 = arith.addi %add3A_129, %add3A_371 : i32
        %mul3A_373 = arith.constant 40 : i32
        %mul3A_374 = arith.muli %add3A_372, %mul3A_373 : i32
        %dma_start3A_375 = tpu.memref_slice %arg5[%mul3A_374] : memref<25600xi32, #tpu.memory_space<vmem>> -> memref<40xi32, #tpu.memory_space<vmem>>
        %dma_start3A_376 = arith.constant 0 : i32
        %dma_start3A_377 = arith.constant 0 : i32
        %dma_start3A_378 = tpu.memref_slice %arg3[%dma_start3A_376, %dma_start3A_377] : memref<1000000x128xf32, #tpu.memory_space<hbm>> -> memref<1000000x128xf32, #tpu.memory_space<hbm>>
        tpu.enqueue_indirect_dma source(%dma_start3A_378 : memref<1000000x128xf32, #tpu.memory_space<hbm>>) target(%arg7 : memref<40x128xf32, #tpu.memory_space<vmem>>) offsets(%dma_start3A_375 : memref<40xi32, #tpu.memory_space<vmem>>) semaphore(%arg23 : memref<!tpu.dma_semaphore, #tpu.memory_space<semaphore_mem>>)
      } else {
      }
      %mul3A_161 = arith.constant 8 : i32
      %mul3A_162 = arith.muli %mul3A_161, %scan3A_94 : i32
      %add3A_163 = arith.constant 2 : i32
      %add3A_164 = arith.addi %mul3A_162, %add3A_163 : i32
      %mul3A_165 = arith.constant 40 : i32
      %mul3A_166 = arith.muli %add3A_164, %mul3A_165 : i32
      %add3A_167 = arith.addi %mul3A_2, %mul3A_166 : i32
      %mul3A_168 = arith.constant 40 : i32
      %mul3A_169 = arith.muli %add3A_164, %mul3A_168 : i32
      %dma_wait3A_170 = tpu.memref_slice %arg5[%mul3A_169] : memref<25600xi32, #tpu.memory_space<vmem>> -> memref<40xi32, #tpu.memory_space<vmem>>
      %dma_wait3A_171 = arith.constant 0 : i32
      %dma_wait3A_172 = arith.constant 0 : i32
      %dma_wait3A_173 = tpu.memref_slice %arg3[%dma_wait3A_171, %dma_wait3A_172] : memref<1000000x128xf32, #tpu.memory_space<hbm>> -> memref<1000000x128xf32, #tpu.memory_space<hbm>>
      tpu.wait_indirect_dma semaphore(%arg24 : memref<!tpu.dma_semaphore, #tpu.memory_space<semaphore_mem>>) src(%dma_wait3A_173 : memref<1000000x128xf32, #tpu.memory_space<hbm>>) dst(%arg8 : memref<40x128xf32, #tpu.memory_space<vmem>>)
      %ge3A_174 = arith.constant 8 : i32
      %ge3A_175 = arith.cmpi sge, %add3A_164, %ge3A_174 : i32
      %convert_element_type3A_176 = arith.extui %ge3A_175 : i1 to i32
      %cond3A_177 = arith.constant 0 : i32
      %cond3A_178 = arith.cmpi ne, %convert_element_type3A_176, %cond3A_177 : i32
      scf.if %cond3A_178 {
        %sub3A = arith.constant 8 : i32
        %sub3A_371 = arith.subi %add3A_164, %sub3A : i32
        %mul3A_372 = arith.constant 40 : i32
        %mul3A_373 = arith.muli %sub3A_371, %mul3A_372 : i32
        %add3A_374 = arith.addi %mul3A_2, %mul3A_373 : i32
        %dma_wait3A_375 = arith.constant 0 : i32
        %dma_wait3A_376 = tpu.memref_slice %arg4[%add3A_374, %dma_wait3A_375] : memref<819200x128xf32, #tpu.memory_space<hbm>> -> memref<40x128xf32, #tpu.memory_space<hbm>>
        %dma_wait3A_377 = arith.constant 0 : i32
        %dma_wait3A_378 = tpu.memref_slice %arg4[%add3A_374, %dma_wait3A_377] : memref<819200x128xf32, #tpu.memory_space<hbm>> -> memref<40x128xf32, #tpu.memory_space<hbm>>
        tpu.wait_dma2 semaphore(%arg32 : memref<!tpu.dma_semaphore, #tpu.memory_space<semaphore_mem>>) src(%arg16 : memref<40x128xf32, #tpu.memory_space<vmem>>) dst(%dma_wait3A_378 : memref<40x128xf32, #tpu.memory_space<hbm>>)
      } else {
      }
      %scan3A_179 = arith.constant 0 : i32
      %scan3A_180 = arith.constant 0 : i32
      %scan3A_181 = arith.constant 40 : i32
      %scan3A_182 = arith.addi %scan3A_180, %scan3A_181 : i32
      %scan3A_183 = arith.constant 1 : i32
      scf.for %scan3A_371 = %scan3A_180 to %scan3A_182 step %scan3A_183  : i32 {
        %get3A = arith.index_cast %scan3A_371 : i32 to index
        %get3A_372 = arith.constant 0 : index
        %get3A_373 = tpu.vector_load %arg8[%get3A, %get3A_372] {strides = array<i32>} : memref<40x128xf32, #tpu.memory_space<vmem>>, vector<1x16xf32>,
        %get3A_374 = vector.shape_cast %get3A_373 : vector<1x16xf32> to vector<16xf32>
        %mul3A_375 = arith.constant 11.3137083 : f32
        %mul3A_376 = vector.broadcast %mul3A_375 : f32 to vector<16xf32>
        %mul3A_377 = arith.mulf %get3A_374, %mul3A_376 : vector<16xf32>
        %swap3A = arith.index_cast %scan3A_371 : i32 to index
        %swap3A_378 = arith.constant 0 : index
        %swap3A_379 = tpu.vector_load %arg16[%swap3A, %swap3A_378] {strides = array<i32>} : memref<40x128xf32, #tpu.memory_space<vmem>>, vector<1x16xf32>,
        %swap3A_380 = vector.shape_cast %swap3A_379 : vector<1x16xf32> to vector<16xf32>
        %swap3A_381 = vector.shape_cast %mul3A_377 : vector<16xf32> to vector<1x16xf32>
        tpu.vector_store %arg16[%swap3A, %swap3A_378], %swap3A_381 {strides = array<i32>} : memref<40x128xf32, #tpu.memory_space<vmem>>, vector<1x16xf32>,
        %get3A_382 = arith.index_cast %scan3A_371 : i32 to index
        %get3A_383 = arith.constant 16 : index
        %get3A_384 = tpu.vector_load %arg8[%get3A_382, %get3A_383] {strides = array<i32>} : memref<40x128xf32, #tpu.memory_space<vmem>>, vector<1x16xf32>,
        %get3A_385 = vector.shape_cast %get3A_384 : vector<1x16xf32> to vector<16xf32>
        %mul3A_386 = arith.constant 11.3137083 : f32
        %mul3A_387 = vector.broadcast %mul3A_386 : f32 to vector<16xf32>
        %mul3A_388 = arith.mulf %get3A_385, %mul3A_387 : vector<16xf32>
        %swap3A_389 = arith.index_cast %scan3A_371 : i32 to index
        %swap3A_390 = arith.constant 16 : index
        %swap3A_391 = tpu.vector_load %arg16[%swap3A_389, %swap3A_390] {strides = array<i32>} : memref<40x128xf32, #tpu.memory_space<vmem>>, vector<1x16xf32>,
        %swap3A_392 = vector.shape_cast %swap3A_391 : vector<1x16xf32> to vector<16xf32>
        %swap3A_393 = vector.shape_cast %mul3A_388 : vector<16xf32> to vector<1x16xf32>
        tpu.vector_store %arg16[%swap3A_389, %swap3A_390], %swap3A_393 {strides = array<i32>} : memref<40x128xf32, #tpu.memory_space<vmem>>, vector<1x16xf32>,
        %get3A_394 = arith.index_cast %scan3A_371 : i32 to index
        %get3A_395 = arith.constant 32 : index
        %get3A_396 = tpu.vector_load %arg8[%get3A_394, %get3A_395] {strides = array<i32>} : memref<40x128xf32, #tpu.memory_space<vmem>>, vector<1x16xf32>,
        %get3A_397 = vector.shape_cast %get3A_396 : vector<1x16xf32> to vector<16xf32>
        %mul3A_398 = arith.constant 11.3137083 : f32
        %mul3A_399 = vector.broadcast %mul3A_398 : f32 to vector<16xf32>
        %mul3A_400 = arith.mulf %get3A_397, %mul3A_399 : vector<16xf32>
        %swap3A_401 = arith.index_cast %scan3A_371 : i32 to index
        %swap3A_402 = arith.constant 32 : index
        %swap3A_403 = tpu.vector_load %arg16[%swap3A_401, %swap3A_402] {strides = array<i32>} : memref<40x128xf32, #tpu.memory_space<vmem>>, vector<1x16xf32>,
        %swap3A_404 = vector.shape_cast %swap3A_403 : vector<1x16xf32> to vector<16xf32>
        %swap3A_405 = vector.shape_cast %mul3A_400 : vector<16xf32> to vector<1x16xf32>
        tpu.vector_store %arg16[%swap3A_401, %swap3A_402], %swap3A_405 {strides = array<i32>} : memref<40x128xf32, #tpu.memory_space<vmem>>, vector<1x16xf32>,
        %get3A_406 = arith.index_cast %scan3A_371 : i32 to index
        %get3A_407 = arith.constant 48 : index
        %get3A_408 = tpu.vector_load %arg8[%get3A_406, %get3A_407] {strides = array<i32>} : memref<40x128xf32, #tpu.memory_space<vmem>>, vector<1x16xf32>,
        %get3A_409 = vector.shape_cast %get3A_408 : vector<1x16xf32> to vector<16xf32>
        %mul3A_410 = arith.constant 11.3137083 : f32
        %mul3A_411 = vector.broadcast %mul3A_410 : f32 to vector<16xf32>
        %mul3A_412 = arith.mulf %get3A_409, %mul3A_411 : vector<16xf32>
        %swap3A_413 = arith.index_cast %scan3A_371 : i32 to index
        %swap3A_414 = arith.constant 48 : index
        %swap3A_415 = tpu.vector_load %arg16[%swap3A_413, %swap3A_414] {strides = array<i32>} : memref<40x128xf32, #tpu.memory_space<vmem>>, vector<1x16xf32>,
        %swap3A_416 = vector.shape_cast %swap3A_415 : vector<1x16xf32> to vector<16xf32>
        %swap3A_417 = vector.shape_cast %mul3A_412 : vector<16xf32> to vector<1x16xf32>
        tpu.vector_store %arg16[%swap3A_413, %swap3A_414], %swap3A_417 {strides = array<i32>} : memref<40x128xf32, #tpu.memory_space<vmem>>, vector<1x16xf32>,
        %get3A_418 = arith.index_cast %scan3A_371 : i32 to index
        %get3A_419 = arith.constant 64 : index
        %get3A_420 = tpu.vector_load %arg8[%get3A_418, %get3A_419] {strides = array<i32>} : memref<40x128xf32, #tpu.memory_space<vmem>>, vector<1x16xf32>,
        %get3A_421 = vector.shape_cast %get3A_420 : vector<1x16xf32> to vector<16xf32>
        %mul3A_422 = arith.constant 11.3137083 : f32
        %mul3A_423 = vector.broadcast %mul3A_422 : f32 to vector<16xf32>
        %mul3A_424 = arith.mulf %get3A_421, %mul3A_423 : vector<16xf32>
        %swap3A_425 = arith.index_cast %scan3A_371 : i32 to index
        %swap3A_426 = arith.constant 64 : index
        %swap3A_427 = tpu.vector_load %arg16[%swap3A_425, %swap3A_426] {strides = array<i32>} : memref<40x128xf32, #tpu.memory_space<vmem>>, vector<1x16xf32>,
        %swap3A_428 = vector.shape_cast %swap3A_427 : vector<1x16xf32> to vector<16xf32>
        %swap3A_429 = vector.shape_cast %mul3A_424 : vector<16xf32> to vector<1x16xf32>
        tpu.vector_store %arg16[%swap3A_425, %swap3A_426], %swap3A_429 {strides = array<i32>} : memref<40x128xf32, #tpu.memory_space<vmem>>, vector<1x16xf32>,
        %get3A_430 = arith.index_cast %scan3A_371 : i32 to index
        %get3A_431 = arith.constant 80 : index
        %get3A_432 = tpu.vector_load %arg8[%get3A_430, %get3A_431] {strides = array<i32>} : memref<40x128xf32, #tpu.memory_space<vmem>>, vector<1x16xf32>,
        %get3A_433 = vector.shape_cast %get3A_432 : vector<1x16xf32> to vector<16xf32>
        %mul3A_434 = arith.constant 11.3137083 : f32
        %mul3A_435 = vector.broadcast %mul3A_434 : f32 to vector<16xf32>
        %mul3A_436 = arith.mulf %get3A_433, %mul3A_435 : vector<16xf32>
        %swap3A_437 = arith.index_cast %scan3A_371 : i32 to index
        %swap3A_438 = arith.constant 80 : index
        %swap3A_439 = tpu.vector_load %arg16[%swap3A_437, %swap3A_438] {strides = array<i32>} : memref<40x128xf32, #tpu.memory_space<vmem>>, vector<1x16xf32>,
        %swap3A_440 = vector.shape_cast %swap3A_439 : vector<1x16xf32> to vector<16xf32>
        %swap3A_441 = vector.shape_cast %mul3A_436 : vector<16xf32> to vector<1x16xf32>
        tpu.vector_store %arg16[%swap3A_437, %swap3A_438], %swap3A_441 {strides = array<i32>} : memref<40x128xf32, #tpu.memory_space<vmem>>, vector<1x16xf32>,
        %get3A_442 = arith.index_cast %scan3A_371 : i32 to index
        %get3A_443 = arith.constant 96 : index
        %get3A_444 = tpu.vector_load %arg8[%get3A_442, %get3A_443] {strides = array<i32>} : memref<40x128xf32, #tpu.memory_space<vmem>>, vector<1x16xf32>,
        %get3A_445 = vector.shape_cast %get3A_444 : vector<1x16xf32> to vector<16xf32>
        %mul3A_446 = arith.constant 11.3137083 : f32
        %mul3A_447 = vector.broadcast %mul3A_446 : f32 to vector<16xf32>
        %mul3A_448 = arith.mulf %get3A_445, %mul3A_447 : vector<16xf32>
        %swap3A_449 = arith.index_cast %scan3A_371 : i32 to index
        %swap3A_450 = arith.constant 96 : index
        %swap3A_451 = tpu.vector_load %arg16[%swap3A_449, %swap3A_450] {strides = array<i32>} : memref<40x128xf32, #tpu.memory_space<vmem>>, vector<1x16xf32>,
        %swap3A_452 = vector.shape_cast %swap3A_451 : vector<1x16xf32> to vector<16xf32>
        %swap3A_453 = vector.shape_cast %mul3A_448 : vector<16xf32> to vector<1x16xf32>
        tpu.vector_store %arg16[%swap3A_449, %swap3A_450], %swap3A_453 {strides = array<i32>} : memref<40x128xf32, #tpu.memory_space<vmem>>, vector<1x16xf32>,
        %get3A_454 = arith.index_cast %scan3A_371 : i32 to index
        %get3A_455 = arith.constant 112 : index
        %get3A_456 = tpu.vector_load %arg8[%get3A_454, %get3A_455] {strides = array<i32>} : memref<40x128xf32, #tpu.memory_space<vmem>>, vector<1x16xf32>,
        %get3A_457 = vector.shape_cast %get3A_456 : vector<1x16xf32> to vector<16xf32>
        %mul3A_458 = arith.constant 11.3137083 : f32
        %mul3A_459 = vector.broadcast %mul3A_458 : f32 to vector<16xf32>
        %mul3A_460 = arith.mulf %get3A_457, %mul3A_459 : vector<16xf32>
        %swap3A_461 = arith.index_cast %scan3A_371 : i32 to index
        %swap3A_462 = arith.constant 112 : index
        %swap3A_463 = tpu.vector_load %arg16[%swap3A_461, %swap3A_462] {strides = array<i32>} : memref<40x128xf32, #tpu.memory_space<vmem>>, vector<1x16xf32>,
        %swap3A_464 = vector.shape_cast %swap3A_463 : vector<1x16xf32> to vector<16xf32>
        %swap3A_465 = vector.shape_cast %mul3A_460 : vector<16xf32> to vector<1x16xf32>
        tpu.vector_store %arg16[%swap3A_461, %swap3A_462], %swap3A_465 {strides = array<i32>} : memref<40x128xf32, #tpu.memory_space<vmem>>, vector<1x16xf32>,
      }
      %scan3A_184 = arith.constant 40 : i32
      %dma_start3A_185 = arith.constant 0 : i32
      %dma_start3A_186 = tpu.memref_slice %arg4[%add3A_167, %dma_start3A_185] : memref<819200x128xf32, #tpu.memory_space<hbm>> -> memref<40x128xf32, #tpu.memory_space<hbm>>
      %dma_start3A_187 = arith.constant 0 : i32
      %dma_start3A_188 = tpu.memref_slice %arg4[%add3A_167, %dma_start3A_187] : memref<819200x128xf32, #tpu.memory_space<hbm>> -> memref<40x128xf32, #tpu.memory_space<hbm>>
      tpu.enqueue_dma source(%arg16 : memref<40x128xf32, #tpu.memory_space<vmem>>) target(%dma_start3A_188 : memref<40x128xf32, #tpu.memory_space<hbm>>) target_semaphore(%arg32 : memref<!tpu.dma_semaphore, #tpu.memory_space<semaphore_mem>>)
      %add3A_189 = arith.constant 8 : i32
      %add3A_190 = arith.addi %add3A_164, %add3A_189 : i32
      %lt3A_191 = arith.constant 640 : i32
      %lt3A_192 = arith.cmpi slt, %add3A_190, %lt3A_191 : i32
      %convert_element_type3A_193 = arith.extui %lt3A_192 : i1 to i32
      %cond3A_194 = arith.constant 0 : i32
      %cond3A_195 = arith.cmpi ne, %convert_element_type3A_193, %cond3A_194 : i32
      scf.if %cond3A_195 {
        %add3A_371 = arith.constant 8 : i32
        %add3A_372 = arith.addi %add3A_164, %add3A_371 : i32
        %mul3A_373 = arith.constant 40 : i32
        %mul3A_374 = arith.muli %add3A_372, %mul3A_373 : i32
        %dma_start3A_375 = tpu.memref_slice %arg5[%mul3A_374] : memref<25600xi32, #tpu.memory_space<vmem>> -> memref<40xi32, #tpu.memory_space<vmem>>
        %dma_start3A_376 = arith.constant 0 : i32
        %dma_start3A_377 = arith.constant 0 : i32
        %dma_start3A_378 = tpu.memref_slice %arg3[%dma_start3A_376, %dma_start3A_377] : memref<1000000x128xf32, #tpu.memory_space<hbm>> -> memref<1000000x128xf32, #tpu.memory_space<hbm>>
        tpu.enqueue_indirect_dma source(%dma_start3A_378 : memref<1000000x128xf32, #tpu.memory_space<hbm>>) target(%arg8 : memref<40x128xf32, #tpu.memory_space<vmem>>) offsets(%dma_start3A_375 : memref<40xi32, #tpu.memory_space<vmem>>) semaphore(%arg24 : memref<!tpu.dma_semaphore, #tpu.memory_space<semaphore_mem>>)
      } else {
      }
      %mul3A_196 = arith.constant 8 : i32
      %mul3A_197 = arith.muli %mul3A_196, %scan3A_94 : i32
      %add3A_198 = arith.constant 3 : i32
      %add3A_199 = arith.addi %mul3A_197, %add3A_198 : i32
      %mul3A_200 = arith.constant 40 : i32
      %mul3A_201 = arith.muli %add3A_199, %mul3A_200 : i32
      %add3A_202 = arith.addi %mul3A_2, %mul3A_201 : i32
      %mul3A_203 = arith.constant 40 : i32
      %mul3A_204 = arith.muli %add3A_199, %mul3A_203 : i32
      %dma_wait3A_205 = tpu.memref_slice %arg5[%mul3A_204] : memref<25600xi32, #tpu.memory_space<vmem>> -> memref<40xi32, #tpu.memory_space<vmem>>
      %dma_wait3A_206 = arith.constant 0 : i32
      %dma_wait3A_207 = arith.constant 0 : i32
      %dma_wait3A_208 = tpu.memref_slice %arg3[%dma_wait3A_206, %dma_wait3A_207] : memref<1000000x128xf32, #tpu.memory_space<hbm>> -> memref<1000000x128xf32, #tpu.memory_space<hbm>>
      tpu.wait_indirect_dma semaphore(%arg25 : memref<!tpu.dma_semaphore, #tpu.memory_space<semaphore_mem>>) src(%dma_wait3A_208 : memref<1000000x128xf32, #tpu.memory_space<hbm>>) dst(%arg9 : memref<40x128xf32, #tpu.memory_space<vmem>>)
      %ge3A_209 = arith.constant 8 : i32
      %ge3A_210 = arith.cmpi sge, %add3A_199, %ge3A_209 : i32
      %convert_element_type3A_211 = arith.extui %ge3A_210 : i1 to i32
      %cond3A_212 = arith.constant 0 : i32
      %cond3A_213 = arith.cmpi ne, %convert_element_type3A_211, %cond3A_212 : i32
      scf.if %cond3A_213 {
        %sub3A = arith.constant 8 : i32
        %sub3A_371 = arith.subi %add3A_199, %sub3A : i32
        %mul3A_372 = arith.constant 40 : i32
        %mul3A_373 = arith.muli %sub3A_371, %mul3A_372 : i32
        %add3A_374 = arith.addi %mul3A_2, %mul3A_373 : i32
        %dma_wait3A_375 = arith.constant 0 : i32
        %dma_wait3A_376 = tpu.memref_slice %arg4[%add3A_374, %dma_wait3A_375] : memref<819200x128xf32, #tpu.memory_space<hbm>> -> memref<40x128xf32, #tpu.memory_space<hbm>>
        %dma_wait3A_377 = arith.constant 0 : i32
        %dma_wait3A_378 = tpu.memref_slice %arg4[%add3A_374, %dma_wait3A_377] : memref<819200x128xf32, #tpu.memory_space<hbm>> -> memref<40x128xf32, #tpu.memory_space<hbm>>
        tpu.wait_dma2 semaphore(%arg33 : memref<!tpu.dma_semaphore, #tpu.memory_space<semaphore_mem>>) src(%arg17 : memref<40x128xf32, #tpu.memory_space<vmem>>) dst(%dma_wait3A_378 : memref<40x128xf32, #tpu.memory_space<hbm>>)
      } else {
      }
      %scan3A_214 = arith.constant 0 : i32
      %scan3A_215 = arith.constant 0 : i32
      %scan3A_216 = arith.constant 40 : i32
      %scan3A_217 = arith.addi %scan3A_215, %scan3A_216 : i32
      %scan3A_218 = arith.constant 1 : i32
      scf.for %scan3A_371 = %scan3A_215 to %scan3A_217 step %scan3A_218  : i32 {
        %get3A = arith.index_cast %scan3A_371 : i32 to index
        %get3A_372 = arith.constant 0 : index
        %get3A_373 = tpu.vector_load %arg9[%get3A, %get3A_372] {strides = array<i32>} : memref<40x128xf32, #tpu.memory_space<vmem>>, vector<1x16xf32>,
        %get3A_374 = vector.shape_cast %get3A_373 : vector<1x16xf32> to vector<16xf32>
        %mul3A_375 = arith.constant 11.3137083 : f32
        %mul3A_376 = vector.broadcast %mul3A_375 : f32 to vector<16xf32>
        %mul3A_377 = arith.mulf %get3A_374, %mul3A_376 : vector<16xf32>
        %swap3A = arith.index_cast %scan3A_371 : i32 to index
        %swap3A_378 = arith.constant 0 : index
        %swap3A_379 = tpu.vector_load %arg17[%swap3A, %swap3A_378] {strides = array<i32>} : memref<40x128xf32, #tpu.memory_space<vmem>>, vector<1x16xf32>,
        %swap3A_380 = vector.shape_cast %swap3A_379 : vector<1x16xf32> to vector<16xf32>
        %swap3A_381 = vector.shape_cast %mul3A_377 : vector<16xf32> to vector<1x16xf32>
        tpu.vector_store %arg17[%swap3A, %swap3A_378], %swap3A_381 {strides = array<i32>} : memref<40x128xf32, #tpu.memory_space<vmem>>, vector<1x16xf32>,
        %get3A_382 = arith.index_cast %scan3A_371 : i32 to index
        %get3A_383 = arith.constant 16 : index
        %get3A_384 = tpu.vector_load %arg9[%get3A_382, %get3A_383] {strides = array<i32>} : memref<40x128xf32, #tpu.memory_space<vmem>>, vector<1x16xf32>,
        %get3A_385 = vector.shape_cast %get3A_384 : vector<1x16xf32> to vector<16xf32>
        %mul3A_386 = arith.constant 11.3137083 : f32
        %mul3A_387 = vector.broadcast %mul3A_386 : f32 to vector<16xf32>
        %mul3A_388 = arith.mulf %get3A_385, %mul3A_387 : vector<16xf32>
        %swap3A_389 = arith.index_cast %scan3A_371 : i32 to index
        %swap3A_390 = arith.constant 16 : index
        %swap3A_391 = tpu.vector_load %arg17[%swap3A_389, %swap3A_390] {strides = array<i32>} : memref<40x128xf32, #tpu.memory_space<vmem>>, vector<1x16xf32>,
        %swap3A_392 = vector.shape_cast %swap3A_391 : vector<1x16xf32> to vector<16xf32>
        %swap3A_393 = vector.shape_cast %mul3A_388 : vector<16xf32> to vector<1x16xf32>
        tpu.vector_store %arg17[%swap3A_389, %swap3A_390], %swap3A_393 {strides = array<i32>} : memref<40x128xf32, #tpu.memory_space<vmem>>, vector<1x16xf32>,
        %get3A_394 = arith.index_cast %scan3A_371 : i32 to index
        %get3A_395 = arith.constant 32 : index
        %get3A_396 = tpu.vector_load %arg9[%get3A_394, %get3A_395] {strides = array<i32>} : memref<40x128xf32, #tpu.memory_space<vmem>>, vector<1x16xf32>,
        %get3A_397 = vector.shape_cast %get3A_396 : vector<1x16xf32> to vector<16xf32>
        %mul3A_398 = arith.constant 11.3137083 : f32
        %mul3A_399 = vector.broadcast %mul3A_398 : f32 to vector<16xf32>
        %mul3A_400 = arith.mulf %get3A_397, %mul3A_399 : vector<16xf32>
        %swap3A_401 = arith.index_cast %scan3A_371 : i32 to index
        %swap3A_402 = arith.constant 32 : index
        %swap3A_403 = tpu.vector_load %arg17[%swap3A_401, %swap3A_402] {strides = array<i32>} : memref<40x128xf32, #tpu.memory_space<vmem>>, vector<1x16xf32>,
        %swap3A_404 = vector.shape_cast %swap3A_403 : vector<1x16xf32> to vector<16xf32>
        %swap3A_405 = vector.shape_cast %mul3A_400 : vector<16xf32> to vector<1x16xf32>
        tpu.vector_store %arg17[%swap3A_401, %swap3A_402], %swap3A_405 {strides = array<i32>} : memref<40x128xf32, #tpu.memory_space<vmem>>, vector<1x16xf32>,
        %get3A_406 = arith.index_cast %scan3A_371 : i32 to index
        %get3A_407 = arith.constant 48 : index
        %get3A_408 = tpu.vector_load %arg9[%get3A_406, %get3A_407] {strides = array<i32>} : memref<40x128xf32, #tpu.memory_space<vmem>>, vector<1x16xf32>,
        %get3A_409 = vector.shape_cast %get3A_408 : vector<1x16xf32> to vector<16xf32>
        %mul3A_410 = arith.constant 11.3137083 : f32
        %mul3A_411 = vector.broadcast %mul3A_410 : f32 to vector<16xf32>
        %mul3A_412 = arith.mulf %get3A_409, %mul3A_411 : vector<16xf32>
        %swap3A_413 = arith.index_cast %scan3A_371 : i32 to index
        %swap3A_414 = arith.constant 48 : index
        %swap3A_415 = tpu.vector_load %arg17[%swap3A_413, %swap3A_414] {strides = array<i32>} : memref<40x128xf32, #tpu.memory_space<vmem>>, vector<1x16xf32>,
        %swap3A_416 = vector.shape_cast %swap3A_415 : vector<1x16xf32> to vector<16xf32>
        %swap3A_417 = vector.shape_cast %mul3A_412 : vector<16xf32> to vector<1x16xf32>
        tpu.vector_store %arg17[%swap3A_413, %swap3A_414], %swap3A_417 {strides = array<i32>} : memref<40x128xf32, #tpu.memory_space<vmem>>, vector<1x16xf32>,
        %get3A_418 = arith.index_cast %scan3A_371 : i32 to index
        %get3A_419 = arith.constant 64 : index
        %get3A_420 = tpu.vector_load %arg9[%get3A_418, %get3A_419] {strides = array<i32>} : memref<40x128xf32, #tpu.memory_space<vmem>>, vector<1x16xf32>,
        %get3A_421 = vector.shape_cast %get3A_420 : vector<1x16xf32> to vector<16xf32>
        %mul3A_422 = arith.constant 11.3137083 : f32
        %mul3A_423 = vector.broadcast %mul3A_422 : f32 to vector<16xf32>
        %mul3A_424 = arith.mulf %get3A_421, %mul3A_423 : vector<16xf32>
        %swap3A_425 = arith.index_cast %scan3A_371 : i32 to index
        %swap3A_426 = arith.constant 64 : index
        %swap3A_427 = tpu.vector_load %arg17[%swap3A_425, %swap3A_426] {strides = array<i32>} : memref<40x128xf32, #tpu.memory_space<vmem>>, vector<1x16xf32>,
        %swap3A_428 = vector.shape_cast %swap3A_427 : vector<1x16xf32> to vector<16xf32>
        %swap3A_429 = vector.shape_cast %mul3A_424 : vector<16xf32> to vector<1x16xf32>
        tpu.vector_store %arg17[%swap3A_425, %swap3A_426], %swap3A_429 {strides = array<i32>} : memref<40x128xf32, #tpu.memory_space<vmem>>, vector<1x16xf32>,
        %get3A_430 = arith.index_cast %scan3A_371 : i32 to index
        %get3A_431 = arith.constant 80 : index
        %get3A_432 = tpu.vector_load %arg9[%get3A_430, %get3A_431] {strides = array<i32>} : memref<40x128xf32, #tpu.memory_space<vmem>>, vector<1x16xf32>,
        %get3A_433 = vector.shape_cast %get3A_432 : vector<1x16xf32> to vector<16xf32>
        %mul3A_434 = arith.constant 11.3137083 : f32
        %mul3A_435 = vector.broadcast %mul3A_434 : f32 to vector<16xf32>
        %mul3A_436 = arith.mulf %get3A_433, %mul3A_435 : vector<16xf32>
        %swap3A_437 = arith.index_cast %scan3A_371 : i32 to index
        %swap3A_438 = arith.constant 80 : index
        %swap3A_439 = tpu.vector_load %arg17[%swap3A_437, %swap3A_438] {strides = array<i32>} : memref<40x128xf32, #tpu.memory_space<vmem>>, vector<1x16xf32>,
        %swap3A_440 = vector.shape_cast %swap3A_439 : vector<1x16xf32> to vector<16xf32>
        %swap3A_441 = vector.shape_cast %mul3A_436 : vector<16xf32> to vector<1x16xf32>
        tpu.vector_store %arg17[%swap3A_437, %swap3A_438], %swap3A_441 {strides = array<i32>} : memref<40x128xf32, #tpu.memory_space<vmem>>, vector<1x16xf32>,
        %get3A_442 = arith.index_cast %scan3A_371 : i32 to index
        %get3A_443 = arith.constant 96 : index
        %get3A_444 = tpu.vector_load %arg9[%get3A_442, %get3A_443] {strides = array<i32>} : memref<40x128xf32, #tpu.memory_space<vmem>>, vector<1x16xf32>,
        %get3A_445 = vector.shape_cast %get3A_444 : vector<1x16xf32> to vector<16xf32>
        %mul3A_446 = arith.constant 11.3137083 : f32
        %mul3A_447 = vector.broadcast %mul3A_446 : f32 to vector<16xf32>
        %mul3A_448 = arith.mulf %get3A_445, %mul3A_447 : vector<16xf32>
        %swap3A_449 = arith.index_cast %scan3A_371 : i32 to index
        %swap3A_450 = arith.constant 96 : index
        %swap3A_451 = tpu.vector_load %arg17[%swap3A_449, %swap3A_450] {strides = array<i32>} : memref<40x128xf32, #tpu.memory_space<vmem>>, vector<1x16xf32>,
        %swap3A_452 = vector.shape_cast %swap3A_451 : vector<1x16xf32> to vector<16xf32>
        %swap3A_453 = vector.shape_cast %mul3A_448 : vector<16xf32> to vector<1x16xf32>
        tpu.vector_store %arg17[%swap3A_449, %swap3A_450], %swap3A_453 {strides = array<i32>} : memref<40x128xf32, #tpu.memory_space<vmem>>, vector<1x16xf32>,
        %get3A_454 = arith.index_cast %scan3A_371 : i32 to index
        %get3A_455 = arith.constant 112 : index
        %get3A_456 = tpu.vector_load %arg9[%get3A_454, %get3A_455] {strides = array<i32>} : memref<40x128xf32, #tpu.memory_space<vmem>>, vector<1x16xf32>,
        %get3A_457 = vector.shape_cast %get3A_456 : vector<1x16xf32> to vector<16xf32>
        %mul3A_458 = arith.constant 11.3137083 : f32
        %mul3A_459 = vector.broadcast %mul3A_458 : f32 to vector<16xf32>
        %mul3A_460 = arith.mulf %get3A_457, %mul3A_459 : vector<16xf32>
        %swap3A_461 = arith.index_cast %scan3A_371 : i32 to index
        %swap3A_462 = arith.constant 112 : index
        %swap3A_463 = tpu.vector_load %arg17[%swap3A_461, %swap3A_462] {strides = array<i32>} : memref<40x128xf32, #tpu.memory_space<vmem>>, vector<1x16xf32>,
        %swap3A_464 = vector.shape_cast %swap3A_463 : vector<1x16xf32> to vector<16xf32>
        %swap3A_465 = vector.shape_cast %mul3A_460 : vector<16xf32> to vector<1x16xf32>
        tpu.vector_store %arg17[%swap3A_461, %swap3A_462], %swap3A_465 {strides = array<i32>} : memref<40x128xf32, #tpu.memory_space<vmem>>, vector<1x16xf32>,
      }
      %scan3A_219 = arith.constant 40 : i32
      %dma_start3A_220 = arith.constant 0 : i32
      %dma_start3A_221 = tpu.memref_slice %arg4[%add3A_202, %dma_start3A_220] : memref<819200x128xf32, #tpu.memory_space<hbm>> -> memref<40x128xf32, #tpu.memory_space<hbm>>
      %dma_start3A_222 = arith.constant 0 : i32
      %dma_start3A_223 = tpu.memref_slice %arg4[%add3A_202, %dma_start3A_222] : memref<819200x128xf32, #tpu.memory_space<hbm>> -> memref<40x128xf32, #tpu.memory_space<hbm>>
      tpu.enqueue_dma source(%arg17 : memref<40x128xf32, #tpu.memory_space<vmem>>) target(%dma_start3A_223 : memref<40x128xf32, #tpu.memory_space<hbm>>) target_semaphore(%arg33 : memref<!tpu.dma_semaphore, #tpu.memory_space<semaphore_mem>>)
      %add3A_224 = arith.constant 8 : i32
      %add3A_225 = arith.addi %add3A_199, %add3A_224 : i32
      %lt3A_226 = arith.constant 640 : i32
      %lt3A_227 = arith.cmpi slt, %add3A_225, %lt3A_226 : i32
      %convert_element_type3A_228 = arith.extui %lt3A_227 : i1 to i32
      %cond3A_229 = arith.constant 0 : i32
      %cond3A_230 = arith.cmpi ne, %convert_element_type3A_228, %cond3A_229 : i32
      scf.if %cond3A_230 {
        %add3A_371 = arith.constant 8 : i32
        %add3A_372 = arith.addi %add3A_199, %add3A_371 : i32
        %mul3A_373 = arith.constant 40 : i32
        %mul3A_374 = arith.muli %add3A_372, %mul3A_373 : i32
        %dma_start3A_375 = tpu.memref_slice %arg5[%mul3A_374] : memref<25600xi32, #tpu.memory_space<vmem>> -> memref<40xi32, #tpu.memory_space<vmem>>
        %dma_start3A_376 = arith.constant 0 : i32
        %dma_start3A_377 = arith.constant 0 : i32
        %dma_start3A_378 = tpu.memref_slice %arg3[%dma_start3A_376, %dma_start3A_377] : memref<1000000x128xf32, #tpu.memory_space<hbm>> -> memref<1000000x128xf32, #tpu.memory_space<hbm>>
        tpu.enqueue_indirect_dma source(%dma_start3A_378 : memref<1000000x128xf32, #tpu.memory_space<hbm>>) target(%arg9 : memref<40x128xf32, #tpu.memory_space<vmem>>) offsets(%dma_start3A_375 : memref<40xi32, #tpu.memory_space<vmem>>) semaphore(%arg25 : memref<!tpu.dma_semaphore, #tpu.memory_space<semaphore_mem>>)
      } else {
      }
      %mul3A_231 = arith.constant 8 : i32
      %mul3A_232 = arith.muli %mul3A_231, %scan3A_94 : i32
      %add3A_233 = arith.constant 4 : i32
      %add3A_234 = arith.addi %mul3A_232, %add3A_233 : i32
      %mul3A_235 = arith.constant 40 : i32
      %mul3A_236 = arith.muli %add3A_234, %mul3A_235 : i32
      %add3A_237 = arith.addi %mul3A_2, %mul3A_236 : i32
      %mul3A_238 = arith.constant 40 : i32
      %mul3A_239 = arith.muli %add3A_234, %mul3A_238 : i32
      %dma_wait3A_240 = tpu.memref_slice %arg5[%mul3A_239] : memref<25600xi32, #tpu.memory_space<vmem>> -> memref<40xi32, #tpu.memory_space<vmem>>
      %dma_wait3A_241 = arith.constant 0 : i32
      %dma_wait3A_242 = arith.constant 0 : i32
      %dma_wait3A_243 = tpu.memref_slice %arg3[%dma_wait3A_241, %dma_wait3A_242] : memref<1000000x128xf32, #tpu.memory_space<hbm>> -> memref<1000000x128xf32, #tpu.memory_space<hbm>>
      tpu.wait_indirect_dma semaphore(%arg26 : memref<!tpu.dma_semaphore, #tpu.memory_space<semaphore_mem>>) src(%dma_wait3A_243 : memref<1000000x128xf32, #tpu.memory_space<hbm>>) dst(%arg10 : memref<40x128xf32, #tpu.memory_space<vmem>>)
      %ge3A_244 = arith.constant 8 : i32
      %ge3A_245 = arith.cmpi sge, %add3A_234, %ge3A_244 : i32
      %convert_element_type3A_246 = arith.extui %ge3A_245 : i1 to i32
      %cond3A_247 = arith.constant 0 : i32
      %cond3A_248 = arith.cmpi ne, %convert_element_type3A_246, %cond3A_247 : i32
      scf.if %cond3A_248 {
        %sub3A = arith.constant 8 : i32
        %sub3A_371 = arith.subi %add3A_234, %sub3A : i32
        %mul3A_372 = arith.constant 40 : i32
        %mul3A_373 = arith.muli %sub3A_371, %mul3A_372 : i32
        %add3A_374 = arith.addi %mul3A_2, %mul3A_373 : i32
        %dma_wait3A_375 = arith.constant 0 : i32
        %dma_wait3A_376 = tpu.memref_slice %arg4[%add3A_374, %dma_wait3A_375] : memref<819200x128xf32, #tpu.memory_space<hbm>> -> memref<40x128xf32, #tpu.memory_space<hbm>>
        %dma_wait3A_377 = arith.constant 0 : i32
        %dma_wait3A_378 = tpu.memref_slice %arg4[%add3A_374, %dma_wait3A_377] : memref<819200x128xf32, #tpu.memory_space<hbm>> -> memref<40x128xf32, #tpu.memory_space<hbm>>
        tpu.wait_dma2 semaphore(%arg34 : memref<!tpu.dma_semaphore, #tpu.memory_space<semaphore_mem>>) src(%arg18 : memref<40x128xf32, #tpu.memory_space<vmem>>) dst(%dma_wait3A_378 : memref<40x128xf32, #tpu.memory_space<hbm>>)
      } else {
      }
      %scan3A_249 = arith.constant 0 : i32
      %scan3A_250 = arith.constant 0 : i32
      %scan3A_251 = arith.constant 40 : i32
      %scan3A_252 = arith.addi %scan3A_250, %scan3A_251 : i32
      %scan3A_253 = arith.constant 1 : i32
      scf.for %scan3A_371 = %scan3A_250 to %scan3A_252 step %scan3A_253  : i32 {
        %get3A = arith.index_cast %scan3A_371 : i32 to index
        %get3A_372 = arith.constant 0 : index
        %get3A_373 = tpu.vector_load %arg10[%get3A, %get3A_372] {strides = array<i32>} : memref<40x128xf32, #tpu.memory_space<vmem>>, vector<1x16xf32>,
        %get3A_374 = vector.shape_cast %get3A_373 : vector<1x16xf32> to vector<16xf32>
        %mul3A_375 = arith.constant 11.3137083 : f32
        %mul3A_376 = vector.broadcast %mul3A_375 : f32 to vector<16xf32>
        %mul3A_377 = arith.mulf %get3A_374, %mul3A_376 : vector<16xf32>
        %swap3A = arith.index_cast %scan3A_371 : i32 to index
        %swap3A_378 = arith.constant 0 : index
        %swap3A_379 = tpu.vector_load %arg18[%swap3A, %swap3A_378] {strides = array<i32>} : memref<40x128xf32, #tpu.memory_space<vmem>>, vector<1x16xf32>,
        %swap3A_380 = vector.shape_cast %swap3A_379 : vector<1x16xf32> to vector<16xf32>
        %swap3A_381 = vector.shape_cast %mul3A_377 : vector<16xf32> to vector<1x16xf32>
        tpu.vector_store %arg18[%swap3A, %swap3A_378], %swap3A_381 {strides = array<i32>} : memref<40x128xf32, #tpu.memory_space<vmem>>, vector<1x16xf32>,
        %get3A_382 = arith.index_cast %scan3A_371 : i32 to index
        %get3A_383 = arith.constant 16 : index
        %get3A_384 = tpu.vector_load %arg10[%get3A_382, %get3A_383] {strides = array<i32>} : memref<40x128xf32, #tpu.memory_space<vmem>>, vector<1x16xf32>,
        %get3A_385 = vector.shape_cast %get3A_384 : vector<1x16xf32> to vector<16xf32>
        %mul3A_386 = arith.constant 11.3137083 : f32
        %mul3A_387 = vector.broadcast %mul3A_386 : f32 to vector<16xf32>
        %mul3A_388 = arith.mulf %get3A_385, %mul3A_387 : vector<16xf32>
        %swap3A_389 = arith.index_cast %scan3A_371 : i32 to index
        %swap3A_390 = arith.constant 16 : index
        %swap3A_391 = tpu.vector_load %arg18[%swap3A_389, %swap3A_390] {strides = array<i32>} : memref<40x128xf32, #tpu.memory_space<vmem>>, vector<1x16xf32>,
        %swap3A_392 = vector.shape_cast %swap3A_391 : vector<1x16xf32> to vector<16xf32>
        %swap3A_393 = vector.shape_cast %mul3A_388 : vector<16xf32> to vector<1x16xf32>
        tpu.vector_store %arg18[%swap3A_389, %swap3A_390], %swap3A_393 {strides = array<i32>} : memref<40x128xf32, #tpu.memory_space<vmem>>, vector<1x16xf32>,
        %get3A_394 = arith.index_cast %scan3A_371 : i32 to index
        %get3A_395 = arith.constant 32 : index
        %get3A_396 = tpu.vector_load %arg10[%get3A_394, %get3A_395] {strides = array<i32>} : memref<40x128xf32, #tpu.memory_space<vmem>>, vector<1x16xf32>,
        %get3A_397 = vector.shape_cast %get3A_396 : vector<1x16xf32> to vector<16xf32>
        %mul3A_398 = arith.constant 11.3137083 : f32
        %mul3A_399 = vector.broadcast %mul3A_398 : f32 to vector<16xf32>
        %mul3A_400 = arith.mulf %get3A_397, %mul3A_399 : vector<16xf32>
        %swap3A_401 = arith.index_cast %scan3A_371 : i32 to index
        %swap3A_402 = arith.constant 32 : index
        %swap3A_403 = tpu.vector_load %arg18[%swap3A_401, %swap3A_402] {strides = array<i32>} : memref<40x128xf32, #tpu.memory_space<vmem>>, vector<1x16xf32>,
        %swap3A_404 = vector.shape_cast %swap3A_403 : vector<1x16xf32> to vector<16xf32>
        %swap3A_405 = vector.shape_cast %mul3A_400 : vector<16xf32> to vector<1x16xf32>
        tpu.vector_store %arg18[%swap3A_401, %swap3A_402], %swap3A_405 {strides = array<i32>} : memref<40x128xf32, #tpu.memory_space<vmem>>, vector<1x16xf32>,
        %get3A_406 = arith.index_cast %scan3A_371 : i32 to index
        %get3A_407 = arith.constant 48 : index
        %get3A_408 = tpu.vector_load %arg10[%get3A_406, %get3A_407] {strides = array<i32>} : memref<40x128xf32, #tpu.memory_space<vmem>>, vector<1x16xf32>,
        %get3A_409 = vector.shape_cast %get3A_408 : vector<1x16xf32> to vector<16xf32>
        %mul3A_410 = arith.constant 11.3137083 : f32
        %mul3A_411 = vector.broadcast %mul3A_410 : f32 to vector<16xf32>
        %mul3A_412 = arith.mulf %get3A_409, %mul3A_411 : vector<16xf32>
        %swap3A_413 = arith.index_cast %scan3A_371 : i32 to index
        %swap3A_414 = arith.constant 48 : index
        %swap3A_415 = tpu.vector_load %arg18[%swap3A_413, %swap3A_414] {strides = array<i32>} : memref<40x128xf32, #tpu.memory_space<vmem>>, vector<1x16xf32>,
        %swap3A_416 = vector.shape_cast %swap3A_415 : vector<1x16xf32> to vector<16xf32>
        %swap3A_417 = vector.shape_cast %mul3A_412 : vector<16xf32> to vector<1x16xf32>
        tpu.vector_store %arg18[%swap3A_413, %swap3A_414], %swap3A_417 {strides = array<i32>} : memref<40x128xf32, #tpu.memory_space<vmem>>, vector<1x16xf32>,
        %get3A_418 = arith.index_cast %scan3A_371 : i32 to index
        %get3A_419 = arith.constant 64 : index
        %get3A_420 = tpu.vector_load %arg10[%get3A_418, %get3A_419] {strides = array<i32>} : memref<40x128xf32, #tpu.memory_space<vmem>>, vector<1x16xf32>,
        %get3A_421 = vector.shape_cast %get3A_420 : vector<1x16xf32> to vector<16xf32>
        %mul3A_422 = arith.constant 11.3137083 : f32
        %mul3A_423 = vector.broadcast %mul3A_422 : f32 to vector<16xf32>
        %mul3A_424 = arith.mulf %get3A_421, %mul3A_423 : vector<16xf32>
        %swap3A_425 = arith.index_cast %scan3A_371 : i32 to index
        %swap3A_426 = arith.constant 64 : index
        %swap3A_427 = tpu.vector_load %arg18[%swap3A_425, %swap3A_426] {strides = array<i32>} : memref<40x128xf32, #tpu.memory_space<vmem>>, vector<1x16xf32>,
        %swap3A_428 = vector.shape_cast %swap3A_427 : vector<1x16xf32> to vector<16xf32>
        %swap3A_429 = vector.shape_cast %mul3A_424 : vector<16xf32> to vector<1x16xf32>
        tpu.vector_store %arg18[%swap3A_425, %swap3A_426], %swap3A_429 {strides = array<i32>} : memref<40x128xf32, #tpu.memory_space<vmem>>, vector<1x16xf32>,
        %get3A_430 = arith.index_cast %scan3A_371 : i32 to index
        %get3A_431 = arith.constant 80 : index
        %get3A_432 = tpu.vector_load %arg10[%get3A_430, %get3A_431] {strides = array<i32>} : memref<40x128xf32, #tpu.memory_space<vmem>>, vector<1x16xf32>,
        %get3A_433 = vector.shape_cast %get3A_432 : vector<1x16xf32> to vector<16xf32>
        %mul3A_434 = arith.constant 11.3137083 : f32
        %mul3A_435 = vector.broadcast %mul3A_434 : f32 to vector<16xf32>
        %mul3A_436 = arith.mulf %get3A_433, %mul3A_435 : vector<16xf32>
        %swap3A_437 = arith.index_cast %scan3A_371 : i32 to index
        %swap3A_438 = arith.constant 80 : index
        %swap3A_439 = tpu.vector_load %arg18[%swap3A_437, %swap3A_438] {strides = array<i32>} : memref<40x128xf32, #tpu.memory_space<vmem>>, vector<1x16xf32>,
        %swap3A_440 = vector.shape_cast %swap3A_439 : vector<1x16xf32> to vector<16xf32>
        %swap3A_441 = vector.shape_cast %mul3A_436 : vector<16xf32> to vector<1x16xf32>
        tpu.vector_store %arg18[%swap3A_437, %swap3A_438], %swap3A_441 {strides = array<i32>} : memref<40x128xf32, #tpu.memory_space<vmem>>, vector<1x16xf32>,
        %get3A_442 = arith.index_cast %scan3A_371 : i32 to index
        %get3A_443 = arith.constant 96 : index
        %get3A_444 = tpu.vector_load %arg10[%get3A_442, %get3A_443] {strides = array<i32>} : memref<40x128xf32, #tpu.memory_space<vmem>>, vector<1x16xf32>,
        %get3A_445 = vector.shape_cast %get3A_444 : vector<1x16xf32> to vector<16xf32>
        %mul3A_446 = arith.constant 11.3137083 : f32
        %mul3A_447 = vector.broadcast %mul3A_446 : f32 to vector<16xf32>
        %mul3A_448 = arith.mulf %get3A_445, %mul3A_447 : vector<16xf32>
        %swap3A_449 = arith.index_cast %scan3A_371 : i32 to index
        %swap3A_450 = arith.constant 96 : index
        %swap3A_451 = tpu.vector_load %arg18[%swap3A_449, %swap3A_450] {strides = array<i32>} : memref<40x128xf32, #tpu.memory_space<vmem>>, vector<1x16xf32>,
        %swap3A_452 = vector.shape_cast %swap3A_451 : vector<1x16xf32> to vector<16xf32>
        %swap3A_453 = vector.shape_cast %mul3A_448 : vector<16xf32> to vector<1x16xf32>
        tpu.vector_store %arg18[%swap3A_449, %swap3A_450], %swap3A_453 {strides = array<i32>} : memref<40x128xf32, #tpu.memory_space<vmem>>, vector<1x16xf32>,
        %get3A_454 = arith.index_cast %scan3A_371 : i32 to index
        %get3A_455 = arith.constant 112 : index
        %get3A_456 = tpu.vector_load %arg10[%get3A_454, %get3A_455] {strides = array<i32>} : memref<40x128xf32, #tpu.memory_space<vmem>>, vector<1x16xf32>,
        %get3A_457 = vector.shape_cast %get3A_456 : vector<1x16xf32> to vector<16xf32>
        %mul3A_458 = arith.constant 11.3137083 : f32
        %mul3A_459 = vector.broadcast %mul3A_458 : f32 to vector<16xf32>
        %mul3A_460 = arith.mulf %get3A_457, %mul3A_459 : vector<16xf32>
        %swap3A_461 = arith.index_cast %scan3A_371 : i32 to index
        %swap3A_462 = arith.constant 112 : index
        %swap3A_463 = tpu.vector_load %arg18[%swap3A_461, %swap3A_462] {strides = array<i32>} : memref<40x128xf32, #tpu.memory_space<vmem>>, vector<1x16xf32>,
        %swap3A_464 = vector.shape_cast %swap3A_463 : vector<1x16xf32> to vector<16xf32>
        %swap3A_465 = vector.shape_cast %mul3A_460 : vector<16xf32> to vector<1x16xf32>
        tpu.vector_store %arg18[%swap3A_461, %swap3A_462], %swap3A_465 {strides = array<i32>} : memref<40x128xf32, #tpu.memory_space<vmem>>, vector<1x16xf32>,
      }
      %scan3A_254 = arith.constant 40 : i32
      %dma_start3A_255 = arith.constant 0 : i32
      %dma_start3A_256 = tpu.memref_slice %arg4[%add3A_237, %dma_start3A_255] : memref<819200x128xf32, #tpu.memory_space<hbm>> -> memref<40x128xf32, #tpu.memory_space<hbm>>
      %dma_start3A_257 = arith.constant 0 : i32
      %dma_start3A_258 = tpu.memref_slice %arg4[%add3A_237, %dma_start3A_257] : memref<819200x128xf32, #tpu.memory_space<hbm>> -> memref<40x128xf32, #tpu.memory_space<hbm>>
      tpu.enqueue_dma source(%arg18 : memref<40x128xf32, #tpu.memory_space<vmem>>) target(%dma_start3A_258 : memref<40x128xf32, #tpu.memory_space<hbm>>) target_semaphore(%arg34 : memref<!tpu.dma_semaphore, #tpu.memory_space<semaphore_mem>>)
      %add3A_259 = arith.constant 8 : i32
      %add3A_260 = arith.addi %add3A_234, %add3A_259 : i32
      %lt3A_261 = arith.constant 640 : i32
      %lt3A_262 = arith.cmpi slt, %add3A_260, %lt3A_261 : i32
      %convert_element_type3A_263 = arith.extui %lt3A_262 : i1 to i32
      %cond3A_264 = arith.constant 0 : i32
      %cond3A_265 = arith.cmpi ne, %convert_element_type3A_263, %cond3A_264 : i32
      scf.if %cond3A_265 {
        %add3A_371 = arith.constant 8 : i32
        %add3A_372 = arith.addi %add3A_234, %add3A_371 : i32
        %mul3A_373 = arith.constant 40 : i32
        %mul3A_374 = arith.muli %add3A_372, %mul3A_373 : i32
        %dma_start3A_375 = tpu.memref_slice %arg5[%mul3A_374] : memref<25600xi32, #tpu.memory_space<vmem>> -> memref<40xi32, #tpu.memory_space<vmem>>
        %dma_start3A_376 = arith.constant 0 : i32
        %dma_start3A_377 = arith.constant 0 : i32
        %dma_start3A_378 = tpu.memref_slice %arg3[%dma_start3A_376, %dma_start3A_377] : memref<1000000x128xf32, #tpu.memory_space<hbm>> -> memref<1000000x128xf32, #tpu.memory_space<hbm>>
        tpu.enqueue_indirect_dma source(%dma_start3A_378 : memref<1000000x128xf32, #tpu.memory_space<hbm>>) target(%arg10 : memref<40x128xf32, #tpu.memory_space<vmem>>) offsets(%dma_start3A_375 : memref<40xi32, #tpu.memory_space<vmem>>) semaphore(%arg26 : memref<!tpu.dma_semaphore, #tpu.memory_space<semaphore_mem>>)
      } else {
      }
      %mul3A_266 = arith.constant 8 : i32
      %mul3A_267 = arith.muli %mul3A_266, %scan3A_94 : i32
      %add3A_268 = arith.constant 5 : i32
      %add3A_269 = arith.addi %mul3A_267, %add3A_268 : i32
      %mul3A_270 = arith.constant 40 : i32
      %mul3A_271 = arith.muli %add3A_269, %mul3A_270 : i32
      %add3A_272 = arith.addi %mul3A_2, %mul3A_271 : i32
      %mul3A_273 = arith.constant 40 : i32
      %mul3A_274 = arith.muli %add3A_269, %mul3A_273 : i32
      %dma_wait3A_275 = tpu.memref_slice %arg5[%mul3A_274] : memref<25600xi32, #tpu.memory_space<vmem>> -> memref<40xi32, #tpu.memory_space<vmem>>
      %dma_wait3A_276 = arith.constant 0 : i32
      %dma_wait3A_277 = arith.constant 0 : i32
      %dma_wait3A_278 = tpu.memref_slice %arg3[%dma_wait3A_276, %dma_wait3A_277] : memref<1000000x128xf32, #tpu.memory_space<hbm>> -> memref<1000000x128xf32, #tpu.memory_space<hbm>>
      tpu.wait_indirect_dma semaphore(%arg27 : memref<!tpu.dma_semaphore, #tpu.memory_space<semaphore_mem>>) src(%dma_wait3A_278 : memref<1000000x128xf32, #tpu.memory_space<hbm>>) dst(%arg11 : memref<40x128xf32, #tpu.memory_space<vmem>>)
      %ge3A_279 = arith.constant 8 : i32
      %ge3A_280 = arith.cmpi sge, %add3A_269, %ge3A_279 : i32
      %convert_element_type3A_281 = arith.extui %ge3A_280 : i1 to i32
      %cond3A_282 = arith.constant 0 : i32
      %cond3A_283 = arith.cmpi ne, %convert_element_type3A_281, %cond3A_282 : i32
      scf.if %cond3A_283 {
        %sub3A = arith.constant 8 : i32
        %sub3A_371 = arith.subi %add3A_269, %sub3A : i32
        %mul3A_372 = arith.constant 40 : i32
        %mul3A_373 = arith.muli %sub3A_371, %mul3A_372 : i32
        %add3A_374 = arith.addi %mul3A_2, %mul3A_373 : i32
        %dma_wait3A_375 = arith.constant 0 : i32
        %dma_wait3A_376 = tpu.memref_slice %arg4[%add3A_374, %dma_wait3A_375] : memref<819200x128xf32, #tpu.memory_space<hbm>> -> memref<40x128xf32, #tpu.memory_space<hbm>>
        %dma_wait3A_377 = arith.constant 0 : i32
        %dma_wait3A_378 = tpu.memref_slice %arg4[%add3A_374, %dma_wait3A_377] : memref<819200x128xf32, #tpu.memory_space<hbm>> -> memref<40x128xf32, #tpu.memory_space<hbm>>
        tpu.wait_dma2 semaphore(%arg35 : memref<!tpu.dma_semaphore, #tpu.memory_space<semaphore_mem>>) src(%arg19 : memref<40x128xf32, #tpu.memory_space<vmem>>) dst(%dma_wait3A_378 : memref<40x128xf32, #tpu.memory_space<hbm>>)
      } else {
      }
      %scan3A_284 = arith.constant 0 : i32
      %scan3A_285 = arith.constant 0 : i32
      %scan3A_286 = arith.constant 40 : i32
      %scan3A_287 = arith.addi %scan3A_285, %scan3A_286 : i32
      %scan3A_288 = arith.constant 1 : i32
      scf.for %scan3A_371 = %scan3A_285 to %scan3A_287 step %scan3A_288  : i32 {
        %get3A = arith.index_cast %scan3A_371 : i32 to index
        %get3A_372 = arith.constant 0 : index
        %get3A_373 = tpu.vector_load %arg11[%get3A, %get3A_372] {strides = array<i32>} : memref<40x128xf32, #tpu.memory_space<vmem>>, vector<1x16xf32>,
        %get3A_374 = vector.shape_cast %get3A_373 : vector<1x16xf32> to vector<16xf32>
        %mul3A_375 = arith.constant 11.3137083 : f32
        %mul3A_376 = vector.broadcast %mul3A_375 : f32 to vector<16xf32>
        %mul3A_377 = arith.mulf %get3A_374, %mul3A_376 : vector<16xf32>
        %swap3A = arith.index_cast %scan3A_371 : i32 to index
        %swap3A_378 = arith.constant 0 : index
        %swap3A_379 = tpu.vector_load %arg19[%swap3A, %swap3A_378] {strides = array<i32>} : memref<40x128xf32, #tpu.memory_space<vmem>>, vector<1x16xf32>,
        %swap3A_380 = vector.shape_cast %swap3A_379 : vector<1x16xf32> to vector<16xf32>
        %swap3A_381 = vector.shape_cast %mul3A_377 : vector<16xf32> to vector<1x16xf32>
        tpu.vector_store %arg19[%swap3A, %swap3A_378], %swap3A_381 {strides = array<i32>} : memref<40x128xf32, #tpu.memory_space<vmem>>, vector<1x16xf32>,
        %get3A_382 = arith.index_cast %scan3A_371 : i32 to index
        %get3A_383 = arith.constant 16 : index
        %get3A_384 = tpu.vector_load %arg11[%get3A_382, %get3A_383] {strides = array<i32>} : memref<40x128xf32, #tpu.memory_space<vmem>>, vector<1x16xf32>,
        %get3A_385 = vector.shape_cast %get3A_384 : vector<1x16xf32> to vector<16xf32>
        %mul3A_386 = arith.constant 11.3137083 : f32
        %mul3A_387 = vector.broadcast %mul3A_386 : f32 to vector<16xf32>
        %mul3A_388 = arith.mulf %get3A_385, %mul3A_387 : vector<16xf32>
        %swap3A_389 = arith.index_cast %scan3A_371 : i32 to index
        %swap3A_390 = arith.constant 16 : index
        %swap3A_391 = tpu.vector_load %arg19[%swap3A_389, %swap3A_390] {strides = array<i32>} : memref<40x128xf32, #tpu.memory_space<vmem>>, vector<1x16xf32>,
        %swap3A_392 = vector.shape_cast %swap3A_391 : vector<1x16xf32> to vector<16xf32>
        %swap3A_393 = vector.shape_cast %mul3A_388 : vector<16xf32> to vector<1x16xf32>
        tpu.vector_store %arg19[%swap3A_389, %swap3A_390], %swap3A_393 {strides = array<i32>} : memref<40x128xf32, #tpu.memory_space<vmem>>, vector<1x16xf32>,
        %get3A_394 = arith.index_cast %scan3A_371 : i32 to index
        %get3A_395 = arith.constant 32 : index
        %get3A_396 = tpu.vector_load %arg11[%get3A_394, %get3A_395] {strides = array<i32>} : memref<40x128xf32, #tpu.memory_space<vmem>>, vector<1x16xf32>,
        %get3A_397 = vector.shape_cast %get3A_396 : vector<1x16xf32> to vector<16xf32>
        %mul3A_398 = arith.constant 11.3137083 : f32
        %mul3A_399 = vector.broadcast %mul3A_398 : f32 to vector<16xf32>
        %mul3A_400 = arith.mulf %get3A_397, %mul3A_399 : vector<16xf32>
        %swap3A_401 = arith.index_cast %scan3A_371 : i32 to index
        %swap3A_402 = arith.constant 32 : index
        %swap3A_403 = tpu.vector_load %arg19[%swap3A_401, %swap3A_402] {strides = array<i32>} : memref<40x128xf32, #tpu.memory_space<vmem>>, vector<1x16xf32>,
        %swap3A_404 = vector.shape_cast %swap3A_403 : vector<1x16xf32> to vector<16xf32>
        %swap3A_405 = vector.shape_cast %mul3A_400 : vector<16xf32> to vector<1x16xf32>
        tpu.vector_store %arg19[%swap3A_401, %swap3A_402], %swap3A_405 {strides = array<i32>} : memref<40x128xf32, #tpu.memory_space<vmem>>, vector<1x16xf32>,
        %get3A_406 = arith.index_cast %scan3A_371 : i32 to index
        %get3A_407 = arith.constant 48 : index
        %get3A_408 = tpu.vector_load %arg11[%get3A_406, %get3A_407] {strides = array<i32>} : memref<40x128xf32, #tpu.memory_space<vmem>>, vector<1x16xf32>,
        %get3A_409 = vector.shape_cast %get3A_408 : vector<1x16xf32> to vector<16xf32>
        %mul3A_410 = arith.constant 11.3137083 : f32
        %mul3A_411 = vector.broadcast %mul3A_410 : f32 to vector<16xf32>
        %mul3A_412 = arith.mulf %get3A_409, %mul3A_411 : vector<16xf32>
        %swap3A_413 = arith.index_cast %scan3A_371 : i32 to index
        %swap3A_414 = arith.constant 48 : index
        %swap3A_415 = tpu.vector_load %arg19[%swap3A_413, %swap3A_414] {strides = array<i32>} : memref<40x128xf32, #tpu.memory_space<vmem>>, vector<1x16xf32>,
        %swap3A_416 = vector.shape_cast %swap3A_415 : vector<1x16xf32> to vector<16xf32>
        %swap3A_417 = vector.shape_cast %mul3A_412 : vector<16xf32> to vector<1x16xf32>
        tpu.vector_store %arg19[%swap3A_413, %swap3A_414], %swap3A_417 {strides = array<i32>} : memref<40x128xf32, #tpu.memory_space<vmem>>, vector<1x16xf32>,
        %get3A_418 = arith.index_cast %scan3A_371 : i32 to index
        %get3A_419 = arith.constant 64 : index
        %get3A_420 = tpu.vector_load %arg11[%get3A_418, %get3A_419] {strides = array<i32>} : memref<40x128xf32, #tpu.memory_space<vmem>>, vector<1x16xf32>,
        %get3A_421 = vector.shape_cast %get3A_420 : vector<1x16xf32> to vector<16xf32>
        %mul3A_422 = arith.constant 11.3137083 : f32
        %mul3A_423 = vector.broadcast %mul3A_422 : f32 to vector<16xf32>
        %mul3A_424 = arith.mulf %get3A_421, %mul3A_423 : vector<16xf32>
        %swap3A_425 = arith.index_cast %scan3A_371 : i32 to index
        %swap3A_426 = arith.constant 64 : index
        %swap3A_427 = tpu.vector_load %arg19[%swap3A_425, %swap3A_426] {strides = array<i32>} : memref<40x128xf32, #tpu.memory_space<vmem>>, vector<1x16xf32>,
        %swap3A_428 = vector.shape_cast %swap3A_427 : vector<1x16xf32> to vector<16xf32>
        %swap3A_429 = vector.shape_cast %mul3A_424 : vector<16xf32> to vector<1x16xf32>
        tpu.vector_store %arg19[%swap3A_425, %swap3A_426], %swap3A_429 {strides = array<i32>} : memref<40x128xf32, #tpu.memory_space<vmem>>, vector<1x16xf32>,
        %get3A_430 = arith.index_cast %scan3A_371 : i32 to index
        %get3A_431 = arith.constant 80 : index
        %get3A_432 = tpu.vector_load %arg11[%get3A_430, %get3A_431] {strides = array<i32>} : memref<40x128xf32, #tpu.memory_space<vmem>>, vector<1x16xf32>,
        %get3A_433 = vector.shape_cast %get3A_432 : vector<1x16xf32> to vector<16xf32>
        %mul3A_434 = arith.constant 11.3137083 : f32
        %mul3A_435 = vector.broadcast %mul3A_434 : f32 to vector<16xf32>
        %mul3A_436 = arith.mulf %get3A_433, %mul3A_435 : vector<16xf32>
        %swap3A_437 = arith.index_cast %scan3A_371 : i32 to index
        %swap3A_438 = arith.constant 80 : index
        %swap3A_439 = tpu.vector_load %arg19[%swap3A_437, %swap3A_438] {strides = array<i32>} : memref<40x128xf32, #tpu.memory_space<vmem>>, vector<1x16xf32>,
        %swap3A_440 = vector.shape_cast %swap3A_439 : vector<1x16xf32> to vector<16xf32>
        %swap3A_441 = vector.shape_cast %mul3A_436 : vector<16xf32> to vector<1x16xf32>
        tpu.vector_store %arg19[%swap3A_437, %swap3A_438], %swap3A_441 {strides = array<i32>} : memref<40x128xf32, #tpu.memory_space<vmem>>, vector<1x16xf32>,
        %get3A_442 = arith.index_cast %scan3A_371 : i32 to index
        %get3A_443 = arith.constant 96 : index
        %get3A_444 = tpu.vector_load %arg11[%get3A_442, %get3A_443] {strides = array<i32>} : memref<40x128xf32, #tpu.memory_space<vmem>>, vector<1x16xf32>,
        %get3A_445 = vector.shape_cast %get3A_444 : vector<1x16xf32> to vector<16xf32>
        %mul3A_446 = arith.constant 11.3137083 : f32
        %mul3A_447 = vector.broadcast %mul3A_446 : f32 to vector<16xf32>
        %mul3A_448 = arith.mulf %get3A_445, %mul3A_447 : vector<16xf32>
        %swap3A_449 = arith.index_cast %scan3A_371 : i32 to index
        %swap3A_450 = arith.constant 96 : index
        %swap3A_451 = tpu.vector_load %arg19[%swap3A_449, %swap3A_450] {strides = array<i32>} : memref<40x128xf32, #tpu.memory_space<vmem>>, vector<1x16xf32>,
        %swap3A_452 = vector.shape_cast %swap3A_451 : vector<1x16xf32> to vector<16xf32>
        %swap3A_453 = vector.shape_cast %mul3A_448 : vector<16xf32> to vector<1x16xf32>
        tpu.vector_store %arg19[%swap3A_449, %swap3A_450], %swap3A_453 {strides = array<i32>} : memref<40x128xf32, #tpu.memory_space<vmem>>, vector<1x16xf32>,
        %get3A_454 = arith.index_cast %scan3A_371 : i32 to index
        %get3A_455 = arith.constant 112 : index
        %get3A_456 = tpu.vector_load %arg11[%get3A_454, %get3A_455] {strides = array<i32>} : memref<40x128xf32, #tpu.memory_space<vmem>>, vector<1x16xf32>,
        %get3A_457 = vector.shape_cast %get3A_456 : vector<1x16xf32> to vector<16xf32>
        %mul3A_458 = arith.constant 11.3137083 : f32
        %mul3A_459 = vector.broadcast %mul3A_458 : f32 to vector<16xf32>
        %mul3A_460 = arith.mulf %get3A_457, %mul3A_459 : vector<16xf32>
        %swap3A_461 = arith.index_cast %scan3A_371 : i32 to index
        %swap3A_462 = arith.constant 112 : index
        %swap3A_463 = tpu.vector_load %arg19[%swap3A_461, %swap3A_462] {strides = array<i32>} : memref<40x128xf32, #tpu.memory_space<vmem>>, vector<1x16xf32>,
        %swap3A_464 = vector.shape_cast %swap3A_463 : vector<1x16xf32> to vector<16xf32>
        %swap3A_465 = vector.shape_cast %mul3A_460 : vector<16xf32> to vector<1x16xf32>
        tpu.vector_store %arg19[%swap3A_461, %swap3A_462], %swap3A_465 {strides = array<i32>} : memref<40x128xf32, #tpu.memory_space<vmem>>, vector<1x16xf32>,
      }
      %scan3A_289 = arith.constant 40 : i32
      %dma_start3A_290 = arith.constant 0 : i32
      %dma_start3A_291 = tpu.memref_slice %arg4[%add3A_272, %dma_start3A_290] : memref<819200x128xf32, #tpu.memory_space<hbm>> -> memref<40x128xf32, #tpu.memory_space<hbm>>
      %dma_start3A_292 = arith.constant 0 : i32
      %dma_start3A_293 = tpu.memref_slice %arg4[%add3A_272, %dma_start3A_292] : memref<819200x128xf32, #tpu.memory_space<hbm>> -> memref<40x128xf32, #tpu.memory_space<hbm>>
      tpu.enqueue_dma source(%arg19 : memref<40x128xf32, #tpu.memory_space<vmem>>) target(%dma_start3A_293 : memref<40x128xf32, #tpu.memory_space<hbm>>) target_semaphore(%arg35 : memref<!tpu.dma_semaphore, #tpu.memory_space<semaphore_mem>>)
      %add3A_294 = arith.constant 8 : i32
      %add3A_295 = arith.addi %add3A_269, %add3A_294 : i32
      %lt3A_296 = arith.constant 640 : i32
      %lt3A_297 = arith.cmpi slt, %add3A_295, %lt3A_296 : i32
      %convert_element_type3A_298 = arith.extui %lt3A_297 : i1 to i32
      %cond3A_299 = arith.constant 0 : i32
      %cond3A_300 = arith.cmpi ne, %convert_element_type3A_298, %cond3A_299 : i32
      scf.if %cond3A_300 {
        %add3A_371 = arith.constant 8 : i32
        %add3A_372 = arith.addi %add3A_269, %add3A_371 : i32
        %mul3A_373 = arith.constant 40 : i32
        %mul3A_374 = arith.muli %add3A_372, %mul3A_373 : i32
        %dma_start3A_375 = tpu.memref_slice %arg5[%mul3A_374] : memref<25600xi32, #tpu.memory_space<vmem>> -> memref<40xi32, #tpu.memory_space<vmem>>
        %dma_start3A_376 = arith.constant 0 : i32
        %dma_start3A_377 = arith.constant 0 : i32
        %dma_start3A_378 = tpu.memref_slice %arg3[%dma_start3A_376, %dma_start3A_377] : memref<1000000x128xf32, #tpu.memory_space<hbm>> -> memref<1000000x128xf32, #tpu.memory_space<hbm>>
        tpu.enqueue_indirect_dma source(%dma_start3A_378 : memref<1000000x128xf32, #tpu.memory_space<hbm>>) target(%arg11 : memref<40x128xf32, #tpu.memory_space<vmem>>) offsets(%dma_start3A_375 : memref<40xi32, #tpu.memory_space<vmem>>) semaphore(%arg27 : memref<!tpu.dma_semaphore, #tpu.memory_space<semaphore_mem>>)
      } else {
      }
      %mul3A_301 = arith.constant 8 : i32
      %mul3A_302 = arith.muli %mul3A_301, %scan3A_94 : i32
      %add3A_303 = arith.constant 6 : i32
      %add3A_304 = arith.addi %mul3A_302, %add3A_303 : i32
      %mul3A_305 = arith.constant 40 : i32
      %mul3A_306 = arith.muli %add3A_304, %mul3A_305 : i32
      %add3A_307 = arith.addi %mul3A_2, %mul3A_306 : i32
      %mul3A_308 = arith.constant 40 : i32
      %mul3A_309 = arith.muli %add3A_304, %mul3A_308 : i32
      %dma_wait3A_310 = tpu.memref_slice %arg5[%mul3A_309] : memref<25600xi32, #tpu.memory_space<vmem>> -> memref<40xi32, #tpu.memory_space<vmem>>
      %dma_wait3A_311 = arith.constant 0 : i32
      %dma_wait3A_312 = arith.constant 0 : i32
      %dma_wait3A_313 = tpu.memref_slice %arg3[%dma_wait3A_311, %dma_wait3A_312] : memref<1000000x128xf32, #tpu.memory_space<hbm>> -> memref<1000000x128xf32, #tpu.memory_space<hbm>>
      tpu.wait_indirect_dma semaphore(%arg28 : memref<!tpu.dma_semaphore, #tpu.memory_space<semaphore_mem>>) src(%dma_wait3A_313 : memref<1000000x128xf32, #tpu.memory_space<hbm>>) dst(%arg12 : memref<40x128xf32, #tpu.memory_space<vmem>>)
      %ge3A_314 = arith.constant 8 : i32
      %ge3A_315 = arith.cmpi sge, %add3A_304, %ge3A_314 : i32
      %convert_element_type3A_316 = arith.extui %ge3A_315 : i1 to i32
      %cond3A_317 = arith.constant 0 : i32
      %cond3A_318 = arith.cmpi ne, %convert_element_type3A_316, %cond3A_317 : i32
      scf.if %cond3A_318 {
        %sub3A = arith.constant 8 : i32
        %sub3A_371 = arith.subi %add3A_304, %sub3A : i32
        %mul3A_372 = arith.constant 40 : i32
        %mul3A_373 = arith.muli %sub3A_371, %mul3A_372 : i32
        %add3A_374 = arith.addi %mul3A_2, %mul3A_373 : i32
        %dma_wait3A_375 = arith.constant 0 : i32
        %dma_wait3A_376 = tpu.memref_slice %arg4[%add3A_374, %dma_wait3A_375] : memref<819200x128xf32, #tpu.memory_space<hbm>> -> memref<40x128xf32, #tpu.memory_space<hbm>>
        %dma_wait3A_377 = arith.constant 0 : i32
        %dma_wait3A_378 = tpu.memref_slice %arg4[%add3A_374, %dma_wait3A_377] : memref<819200x128xf32, #tpu.memory_space<hbm>> -> memref<40x128xf32, #tpu.memory_space<hbm>>
        tpu.wait_dma2 semaphore(%arg36 : memref<!tpu.dma_semaphore, #tpu.memory_space<semaphore_mem>>) src(%arg20 : memref<40x128xf32, #tpu.memory_space<vmem>>) dst(%dma_wait3A_378 : memref<40x128xf32, #tpu.memory_space<hbm>>)
      } else {
      }
      %scan3A_319 = arith.constant 0 : i32
      %scan3A_320 = arith.constant 0 : i32
      %scan3A_321 = arith.constant 40 : i32
      %scan3A_322 = arith.addi %scan3A_320, %scan3A_321 : i32
      %scan3A_323 = arith.constant 1 : i32
      scf.for %scan3A_371 = %scan3A_320 to %scan3A_322 step %scan3A_323  : i32 {
        %get3A = arith.index_cast %scan3A_371 : i32 to index
        %get3A_372 = arith.constant 0 : index
        %get3A_373 = tpu.vector_load %arg12[%get3A, %get3A_372] {strides = array<i32>} : memref<40x128xf32, #tpu.memory_space<vmem>>, vector<1x16xf32>,
        %get3A_374 = vector.shape_cast %get3A_373 : vector<1x16xf32> to vector<16xf32>
        %mul3A_375 = arith.constant 11.3137083 : f32
        %mul3A_376 = vector.broadcast %mul3A_375 : f32 to vector<16xf32>
        %mul3A_377 = arith.mulf %get3A_374, %mul3A_376 : vector<16xf32>
        %swap3A = arith.index_cast %scan3A_371 : i32 to index
        %swap3A_378 = arith.constant 0 : index
        %swap3A_379 = tpu.vector_load %arg20[%swap3A, %swap3A_378] {strides = array<i32>} : memref<40x128xf32, #tpu.memory_space<vmem>>, vector<1x16xf32>,
        %swap3A_380 = vector.shape_cast %swap3A_379 : vector<1x16xf32> to vector<16xf32>
        %swap3A_381 = vector.shape_cast %mul3A_377 : vector<16xf32> to vector<1x16xf32>
        tpu.vector_store %arg20[%swap3A, %swap3A_378], %swap3A_381 {strides = array<i32>} : memref<40x128xf32, #tpu.memory_space<vmem>>, vector<1x16xf32>,
        %get3A_382 = arith.index_cast %scan3A_371 : i32 to index
        %get3A_383 = arith.constant 16 : index
        %get3A_384 = tpu.vector_load %arg12[%get3A_382, %get3A_383] {strides = array<i32>} : memref<40x128xf32, #tpu.memory_space<vmem>>, vector<1x16xf32>,
        %get3A_385 = vector.shape_cast %get3A_384 : vector<1x16xf32> to vector<16xf32>
        %mul3A_386 = arith.constant 11.3137083 : f32
        %mul3A_387 = vector.broadcast %mul3A_386 : f32 to vector<16xf32>
        %mul3A_388 = arith.mulf %get3A_385, %mul3A_387 : vector<16xf32>
        %swap3A_389 = arith.index_cast %scan3A_371 : i32 to index
        %swap3A_390 = arith.constant 16 : index
        %swap3A_391 = tpu.vector_load %arg20[%swap3A_389, %swap3A_390] {strides = array<i32>} : memref<40x128xf32, #tpu.memory_space<vmem>>, vector<1x16xf32>,
        %swap3A_392 = vector.shape_cast %swap3A_391 : vector<1x16xf32> to vector<16xf32>
        %swap3A_393 = vector.shape_cast %mul3A_388 : vector<16xf32> to vector<1x16xf32>
        tpu.vector_store %arg20[%swap3A_389, %swap3A_390], %swap3A_393 {strides = array<i32>} : memref<40x128xf32, #tpu.memory_space<vmem>>, vector<1x16xf32>,
        %get3A_394 = arith.index_cast %scan3A_371 : i32 to index
        %get3A_395 = arith.constant 32 : index
        %get3A_396 = tpu.vector_load %arg12[%get3A_394, %get3A_395] {strides = array<i32>} : memref<40x128xf32, #tpu.memory_space<vmem>>, vector<1x16xf32>,
        %get3A_397 = vector.shape_cast %get3A_396 : vector<1x16xf32> to vector<16xf32>
        %mul3A_398 = arith.constant 11.3137083 : f32
        %mul3A_399 = vector.broadcast %mul3A_398 : f32 to vector<16xf32>
        %mul3A_400 = arith.mulf %get3A_397, %mul3A_399 : vector<16xf32>
        %swap3A_401 = arith.index_cast %scan3A_371 : i32 to index
        %swap3A_402 = arith.constant 32 : index
        %swap3A_403 = tpu.vector_load %arg20[%swap3A_401, %swap3A_402] {strides = array<i32>} : memref<40x128xf32, #tpu.memory_space<vmem>>, vector<1x16xf32>,
        %swap3A_404 = vector.shape_cast %swap3A_403 : vector<1x16xf32> to vector<16xf32>
        %swap3A_405 = vector.shape_cast %mul3A_400 : vector<16xf32> to vector<1x16xf32>
        tpu.vector_store %arg20[%swap3A_401, %swap3A_402], %swap3A_405 {strides = array<i32>} : memref<40x128xf32, #tpu.memory_space<vmem>>, vector<1x16xf32>,
        %get3A_406 = arith.index_cast %scan3A_371 : i32 to index
        %get3A_407 = arith.constant 48 : index
        %get3A_408 = tpu.vector_load %arg12[%get3A_406, %get3A_407] {strides = array<i32>} : memref<40x128xf32, #tpu.memory_space<vmem>>, vector<1x16xf32>,
        %get3A_409 = vector.shape_cast %get3A_408 : vector<1x16xf32> to vector<16xf32>
        %mul3A_410 = arith.constant 11.3137083 : f32
        %mul3A_411 = vector.broadcast %mul3A_410 : f32 to vector<16xf32>
        %mul3A_412 = arith.mulf %get3A_409, %mul3A_411 : vector<16xf32>
        %swap3A_413 = arith.index_cast %scan3A_371 : i32 to index
        %swap3A_414 = arith.constant 48 : index
        %swap3A_415 = tpu.vector_load %arg20[%swap3A_413, %swap3A_414] {strides = array<i32>} : memref<40x128xf32, #tpu.memory_space<vmem>>, vector<1x16xf32>,
        %swap3A_416 = vector.shape_cast %swap3A_415 : vector<1x16xf32> to vector<16xf32>
        %swap3A_417 = vector.shape_cast %mul3A_412 : vector<16xf32> to vector<1x16xf32>
        tpu.vector_store %arg20[%swap3A_413, %swap3A_414], %swap3A_417 {strides = array<i32>} : memref<40x128xf32, #tpu.memory_space<vmem>>, vector<1x16xf32>,
        %get3A_418 = arith.index_cast %scan3A_371 : i32 to index
        %get3A_419 = arith.constant 64 : index
        %get3A_420 = tpu.vector_load %arg12[%get3A_418, %get3A_419] {strides = array<i32>} : memref<40x128xf32, #tpu.memory_space<vmem>>, vector<1x16xf32>,
        %get3A_421 = vector.shape_cast %get3A_420 : vector<1x16xf32> to vector<16xf32>
        %mul3A_422 = arith.constant 11.3137083 : f32
        %mul3A_423 = vector.broadcast %mul3A_422 : f32 to vector<16xf32>
        %mul3A_424 = arith.mulf %get3A_421, %mul3A_423 : vector<16xf32>
        %swap3A_425 = arith.index_cast %scan3A_371 : i32 to index
        %swap3A_426 = arith.constant 64 : index
        %swap3A_427 = tpu.vector_load %arg20[%swap3A_425, %swap3A_426] {strides = array<i32>} : memref<40x128xf32, #tpu.memory_space<vmem>>, vector<1x16xf32>,
        %swap3A_428 = vector.shape_cast %swap3A_427 : vector<1x16xf32> to vector<16xf32>
        %swap3A_429 = vector.shape_cast %mul3A_424 : vector<16xf32> to vector<1x16xf32>
        tpu.vector_store %arg20[%swap3A_425, %swap3A_426], %swap3A_429 {strides = array<i32>} : memref<40x128xf32, #tpu.memory_space<vmem>>, vector<1x16xf32>,
        %get3A_430 = arith.index_cast %scan3A_371 : i32 to index
        %get3A_431 = arith.constant 80 : index
        %get3A_432 = tpu.vector_load %arg12[%get3A_430, %get3A_431] {strides = array<i32>} : memref<40x128xf32, #tpu.memory_space<vmem>>, vector<1x16xf32>,
        %get3A_433 = vector.shape_cast %get3A_432 : vector<1x16xf32> to vector<16xf32>
        %mul3A_434 = arith.constant 11.3137083 : f32
        %mul3A_435 = vector.broadcast %mul3A_434 : f32 to vector<16xf32>
        %mul3A_436 = arith.mulf %get3A_433, %mul3A_435 : vector<16xf32>
        %swap3A_437 = arith.index_cast %scan3A_371 : i32 to index
        %swap3A_438 = arith.constant 80 : index
        %swap3A_439 = tpu.vector_load %arg20[%swap3A_437, %swap3A_438] {strides = array<i32>} : memref<40x128xf32, #tpu.memory_space<vmem>>, vector<1x16xf32>,
        %swap3A_440 = vector.shape_cast %swap3A_439 : vector<1x16xf32> to vector<16xf32>
        %swap3A_441 = vector.shape_cast %mul3A_436 : vector<16xf32> to vector<1x16xf32>
        tpu.vector_store %arg20[%swap3A_437, %swap3A_438], %swap3A_441 {strides = array<i32>} : memref<40x128xf32, #tpu.memory_space<vmem>>, vector<1x16xf32>,
        %get3A_442 = arith.index_cast %scan3A_371 : i32 to index
        %get3A_443 = arith.constant 96 : index
        %get3A_444 = tpu.vector_load %arg12[%get3A_442, %get3A_443] {strides = array<i32>} : memref<40x128xf32, #tpu.memory_space<vmem>>, vector<1x16xf32>,
        %get3A_445 = vector.shape_cast %get3A_444 : vector<1x16xf32> to vector<16xf32>
        %mul3A_446 = arith.constant 11.3137083 : f32
        %mul3A_447 = vector.broadcast %mul3A_446 : f32 to vector<16xf32>
        %mul3A_448 = arith.mulf %get3A_445, %mul3A_447 : vector<16xf32>
        %swap3A_449 = arith.index_cast %scan3A_371 : i32 to index
        %swap3A_450 = arith.constant 96 : index
        %swap3A_451 = tpu.vector_load %arg20[%swap3A_449, %swap3A_450] {strides = array<i32>} : memref<40x128xf32, #tpu.memory_space<vmem>>, vector<1x16xf32>,
        %swap3A_452 = vector.shape_cast %swap3A_451 : vector<1x16xf32> to vector<16xf32>
        %swap3A_453 = vector.shape_cast %mul3A_448 : vector<16xf32> to vector<1x16xf32>
        tpu.vector_store %arg20[%swap3A_449, %swap3A_450], %swap3A_453 {strides = array<i32>} : memref<40x128xf32, #tpu.memory_space<vmem>>, vector<1x16xf32>,
        %get3A_454 = arith.index_cast %scan3A_371 : i32 to index
        %get3A_455 = arith.constant 112 : index
        %get3A_456 = tpu.vector_load %arg12[%get3A_454, %get3A_455] {strides = array<i32>} : memref<40x128xf32, #tpu.memory_space<vmem>>, vector<1x16xf32>,
        %get3A_457 = vector.shape_cast %get3A_456 : vector<1x16xf32> to vector<16xf32>
        %mul3A_458 = arith.constant 11.3137083 : f32
        %mul3A_459 = vector.broadcast %mul3A_458 : f32 to vector<16xf32>
        %mul3A_460 = arith.mulf %get3A_457, %mul3A_459 : vector<16xf32>
        %swap3A_461 = arith.index_cast %scan3A_371 : i32 to index
        %swap3A_462 = arith.constant 112 : index
        %swap3A_463 = tpu.vector_load %arg20[%swap3A_461, %swap3A_462] {strides = array<i32>} : memref<40x128xf32, #tpu.memory_space<vmem>>, vector<1x16xf32>,
        %swap3A_464 = vector.shape_cast %swap3A_463 : vector<1x16xf32> to vector<16xf32>
        %swap3A_465 = vector.shape_cast %mul3A_460 : vector<16xf32> to vector<1x16xf32>
        tpu.vector_store %arg20[%swap3A_461, %swap3A_462], %swap3A_465 {strides = array<i32>} : memref<40x128xf32, #tpu.memory_space<vmem>>, vector<1x16xf32>,
      }
      %scan3A_324 = arith.constant 40 : i32
      %dma_start3A_325 = arith.constant 0 : i32
      %dma_start3A_326 = tpu.memref_slice %arg4[%add3A_307, %dma_start3A_325] : memref<819200x128xf32, #tpu.memory_space<hbm>> -> memref<40x128xf32, #tpu.memory_space<hbm>>
      %dma_start3A_327 = arith.constant 0 : i32
      %dma_start3A_328 = tpu.memref_slice %arg4[%add3A_307, %dma_start3A_327] : memref<819200x128xf32, #tpu.memory_space<hbm>> -> memref<40x128xf32, #tpu.memory_space<hbm>>
      tpu.enqueue_dma source(%arg20 : memref<40x128xf32, #tpu.memory_space<vmem>>) target(%dma_start3A_328 : memref<40x128xf32, #tpu.memory_space<hbm>>) target_semaphore(%arg36 : memref<!tpu.dma_semaphore, #tpu.memory_space<semaphore_mem>>)
      %add3A_329 = arith.constant 8 : i32
      %add3A_330 = arith.addi %add3A_304, %add3A_329 : i32
      %lt3A_331 = arith.constant 640 : i32
      %lt3A_332 = arith.cmpi slt, %add3A_330, %lt3A_331 : i32
      %convert_element_type3A_333 = arith.extui %lt3A_332 : i1 to i32
      %cond3A_334 = arith.constant 0 : i32
      %cond3A_335 = arith.cmpi ne, %convert_element_type3A_333, %cond3A_334 : i32
      scf.if %cond3A_335 {
        %add3A_371 = arith.constant 8 : i32
        %add3A_372 = arith.addi %add3A_304, %add3A_371 : i32
        %mul3A_373 = arith.constant 40 : i32
        %mul3A_374 = arith.muli %add3A_372, %mul3A_373 : i32
        %dma_start3A_375 = tpu.memref_slice %arg5[%mul3A_374] : memref<25600xi32, #tpu.memory_space<vmem>> -> memref<40xi32, #tpu.memory_space<vmem>>
        %dma_start3A_376 = arith.constant 0 : i32
        %dma_start3A_377 = arith.constant 0 : i32
        %dma_start3A_378 = tpu.memref_slice %arg3[%dma_start3A_376, %dma_start3A_377] : memref<1000000x128xf32, #tpu.memory_space<hbm>> -> memref<1000000x128xf32, #tpu.memory_space<hbm>>
        tpu.enqueue_indirect_dma source(%dma_start3A_378 : memref<1000000x128xf32, #tpu.memory_space<hbm>>) target(%arg12 : memref<40x128xf32, #tpu.memory_space<vmem>>) offsets(%dma_start3A_375 : memref<40xi32, #tpu.memory_space<vmem>>) semaphore(%arg28 : memref<!tpu.dma_semaphore, #tpu.memory_space<semaphore_mem>>)
      } else {
      }
      %mul3A_336 = arith.constant 8 : i32
      %mul3A_337 = arith.muli %mul3A_336, %scan3A_94 : i32
      %add3A_338 = arith.constant 7 : i32
      %add3A_339 = arith.addi %mul3A_337, %add3A_338 : i32
      %mul3A_340 = arith.constant 40 : i32
      %mul3A_341 = arith.muli %add3A_339, %mul3A_340 : i32
      %add3A_342 = arith.addi %mul3A_2, %mul3A_341 : i32
      %mul3A_343 = arith.constant 40 : i32
      %mul3A_344 = arith.muli %add3A_339, %mul3A_343 : i32
      %dma_wait3A_345 = tpu.memref_slice %arg5[%mul3A_344] : memref<25600xi32, #tpu.memory_space<vmem>> -> memref<40xi32, #tpu.memory_space<vmem>>
      %dma_wait3A_346 = arith.constant 0 : i32
      %dma_wait3A_347 = arith.constant 0 : i32
      %dma_wait3A_348 = tpu.memref_slice %arg3[%dma_wait3A_346, %dma_wait3A_347] : memref<1000000x128xf32, #tpu.memory_space<hbm>> -> memref<1000000x128xf32, #tpu.memory_space<hbm>>
      tpu.wait_indirect_dma semaphore(%arg29 : memref<!tpu.dma_semaphore, #tpu.memory_space<semaphore_mem>>) src(%dma_wait3A_348 : memref<1000000x128xf32, #tpu.memory_space<hbm>>) dst(%arg13 : memref<40x128xf32, #tpu.memory_space<vmem>>)
      %ge3A_349 = arith.constant 8 : i32
      %ge3A_350 = arith.cmpi sge, %add3A_339, %ge3A_349 : i32
      %convert_element_type3A_351 = arith.extui %ge3A_350 : i1 to i32
      %cond3A_352 = arith.constant 0 : i32
      %cond3A_353 = arith.cmpi ne, %convert_element_type3A_351, %cond3A_352 : i32
      scf.if %cond3A_353 {
        %sub3A = arith.constant 8 : i32
        %sub3A_371 = arith.subi %add3A_339, %sub3A : i32
        %mul3A_372 = arith.constant 40 : i32
        %mul3A_373 = arith.muli %sub3A_371, %mul3A_372 : i32
        %add3A_374 = arith.addi %mul3A_2, %mul3A_373 : i32
        %dma_wait3A_375 = arith.constant 0 : i32
        %dma_wait3A_376 = tpu.memref_slice %arg4[%add3A_374, %dma_wait3A_375] : memref<819200x128xf32, #tpu.memory_space<hbm>> -> memref<40x128xf32, #tpu.memory_space<hbm>>
        %dma_wait3A_377 = arith.constant 0 : i32
        %dma_wait3A_378 = tpu.memref_slice %arg4[%add3A_374, %dma_wait3A_377] : memref<819200x128xf32, #tpu.memory_space<hbm>> -> memref<40x128xf32, #tpu.memory_space<hbm>>
        tpu.wait_dma2 semaphore(%arg37 : memref<!tpu.dma_semaphore, #tpu.memory_space<semaphore_mem>>) src(%arg21 : memref<40x128xf32, #tpu.memory_space<vmem>>) dst(%dma_wait3A_378 : memref<40x128xf32, #tpu.memory_space<hbm>>)
      } else {
      }
      %scan3A_354 = arith.constant 0 : i32
      %scan3A_355 = arith.constant 0 : i32
      %scan3A_356 = arith.constant 40 : i32
      %scan3A_357 = arith.addi %scan3A_355, %scan3A_356 : i32
      %scan3A_358 = arith.constant 1 : i32
      scf.for %scan3A_371 = %scan3A_355 to %scan3A_357 step %scan3A_358  : i32 {
        %get3A = arith.index_cast %scan3A_371 : i32 to index
        %get3A_372 = arith.constant 0 : index
        %get3A_373 = tpu.vector_load %arg13[%get3A, %get3A_372] {strides = array<i32>} : memref<40x128xf32, #tpu.memory_space<vmem>>, vector<1x16xf32>,
        %get3A_374 = vector.shape_cast %get3A_373 : vector<1x16xf32> to vector<16xf32>
        %mul3A_375 = arith.constant 11.3137083 : f32
        %mul3A_376 = vector.broadcast %mul3A_375 : f32 to vector<16xf32>
        %mul3A_377 = arith.mulf %get3A_374, %mul3A_376 : vector<16xf32>
        %swap3A = arith.index_cast %scan3A_371 : i32 to index
        %swap3A_378 = arith.constant 0 : index
        %swap3A_379 = tpu.vector_load %arg21[%swap3A, %swap3A_378] {strides = array<i32>} : memref<40x128xf32, #tpu.memory_space<vmem>>, vector<1x16xf32>,
        %swap3A_380 = vector.shape_cast %swap3A_379 : vector<1x16xf32> to vector<16xf32>
        %swap3A_381 = vector.shape_cast %mul3A_377 : vector<16xf32> to vector<1x16xf32>
        tpu.vector_store %arg21[%swap3A, %swap3A_378], %swap3A_381 {strides = array<i32>} : memref<40x128xf32, #tpu.memory_space<vmem>>, vector<1x16xf32>,
        %get3A_382 = arith.index_cast %scan3A_371 : i32 to index
        %get3A_383 = arith.constant 16 : index
        %get3A_384 = tpu.vector_load %arg13[%get3A_382, %get3A_383] {strides = array<i32>} : memref<40x128xf32, #tpu.memory_space<vmem>>, vector<1x16xf32>,
        %get3A_385 = vector.shape_cast %get3A_384 : vector<1x16xf32> to vector<16xf32>
        %mul3A_386 = arith.constant 11.3137083 : f32
        %mul3A_387 = vector.broadcast %mul3A_386 : f32 to vector<16xf32>
        %mul3A_388 = arith.mulf %get3A_385, %mul3A_387 : vector<16xf32>
        %swap3A_389 = arith.index_cast %scan3A_371 : i32 to index
        %swap3A_390 = arith.constant 16 : index
        %swap3A_391 = tpu.vector_load %arg21[%swap3A_389, %swap3A_390] {strides = array<i32>} : memref<40x128xf32, #tpu.memory_space<vmem>>, vector<1x16xf32>,
        %swap3A_392 = vector.shape_cast %swap3A_391 : vector<1x16xf32> to vector<16xf32>
        %swap3A_393 = vector.shape_cast %mul3A_388 : vector<16xf32> to vector<1x16xf32>
        tpu.vector_store %arg21[%swap3A_389, %swap3A_390], %swap3A_393 {strides = array<i32>} : memref<40x128xf32, #tpu.memory_space<vmem>>, vector<1x16xf32>,
        %get3A_394 = arith.index_cast %scan3A_371 : i32 to index
        %get3A_395 = arith.constant 32 : index
        %get3A_396 = tpu.vector_load %arg13[%get3A_394, %get3A_395] {strides = array<i32>} : memref<40x128xf32, #tpu.memory_space<vmem>>, vector<1x16xf32>,
        %get3A_397 = vector.shape_cast %get3A_396 : vector<1x16xf32> to vector<16xf32>
        %mul3A_398 = arith.constant 11.3137083 : f32
        %mul3A_399 = vector.broadcast %mul3A_398 : f32 to vector<16xf32>
        %mul3A_400 = arith.mulf %get3A_397, %mul3A_399 : vector<16xf32>
        %swap3A_401 = arith.index_cast %scan3A_371 : i32 to index
        %swap3A_402 = arith.constant 32 : index
        %swap3A_403 = tpu.vector_load %arg21[%swap3A_401, %swap3A_402] {strides = array<i32>} : memref<40x128xf32, #tpu.memory_space<vmem>>, vector<1x16xf32>,
        %swap3A_404 = vector.shape_cast %swap3A_403 : vector<1x16xf32> to vector<16xf32>
        %swap3A_405 = vector.shape_cast %mul3A_400 : vector<16xf32> to vector<1x16xf32>
        tpu.vector_store %arg21[%swap3A_401, %swap3A_402], %swap3A_405 {strides = array<i32>} : memref<40x128xf32, #tpu.memory_space<vmem>>, vector<1x16xf32>,
        %get3A_406 = arith.index_cast %scan3A_371 : i32 to index
        %get3A_407 = arith.constant 48 : index
        %get3A_408 = tpu.vector_load %arg13[%get3A_406, %get3A_407] {strides = array<i32>} : memref<40x128xf32, #tpu.memory_space<vmem>>, vector<1x16xf32>,
        %get3A_409 = vector.shape_cast %get3A_408 : vector<1x16xf32> to vector<16xf32>
        %mul3A_410 = arith.constant 11.3137083 : f32
        %mul3A_411 = vector.broadcast %mul3A_410 : f32 to vector<16xf32>
        %mul3A_412 = arith.mulf %get3A_409, %mul3A_411 : vector<16xf32>
        %swap3A_413 = arith.index_cast %scan3A_371 : i32 to index
        %swap3A_414 = arith.constant 48 : index
        %swap3A_415 = tpu.vector_load %arg21[%swap3A_413, %swap3A_414] {strides = array<i32>} : memref<40x128xf32, #tpu.memory_space<vmem>>, vector<1x16xf32>,
        %swap3A_416 = vector.shape_cast %swap3A_415 : vector<1x16xf32> to vector<16xf32>
        %swap3A_417 = vector.shape_cast %mul3A_412 : vector<16xf32> to vector<1x16xf32>
        tpu.vector_store %arg21[%swap3A_413, %swap3A_414], %swap3A_417 {strides = array<i32>} : memref<40x128xf32, #tpu.memory_space<vmem>>, vector<1x16xf32>,
        %get3A_418 = arith.index_cast %scan3A_371 : i32 to index
        %get3A_419 = arith.constant 64 : index
        %get3A_420 = tpu.vector_load %arg13[%get3A_418, %get3A_419] {strides = array<i32>} : memref<40x128xf32, #tpu.memory_space<vmem>>, vector<1x16xf32>,
        %get3A_421 = vector.shape_cast %get3A_420 : vector<1x16xf32> to vector<16xf32>
        %mul3A_422 = arith.constant 11.3137083 : f32
        %mul3A_423 = vector.broadcast %mul3A_422 : f32 to vector<16xf32>
        %mul3A_424 = arith.mulf %get3A_421, %mul3A_423 : vector<16xf32>
        %swap3A_425 = arith.index_cast %scan3A_371 : i32 to index
        %swap3A_426 = arith.constant 64 : index
        %swap3A_427 = tpu.vector_load %arg21[%swap3A_425, %swap3A_426] {strides = array<i32>} : memref<40x128xf32, #tpu.memory_space<vmem>>, vector<1x16xf32>,
        %swap3A_428 = vector.shape_cast %swap3A_427 : vector<1x16xf32> to vector<16xf32>
        %swap3A_429 = vector.shape_cast %mul3A_424 : vector<16xf32> to vector<1x16xf32>
        tpu.vector_store %arg21[%swap3A_425, %swap3A_426], %swap3A_429 {strides = array<i32>} : memref<40x128xf32, #tpu.memory_space<vmem>>, vector<1x16xf32>,
        %get3A_430 = arith.index_cast %scan3A_371 : i32 to index
        %get3A_431 = arith.constant 80 : index
        %get3A_432 = tpu.vector_load %arg13[%get3A_430, %get3A_431] {strides = array<i32>} : memref<40x128xf32, #tpu.memory_space<vmem>>, vector<1x16xf32>,
        %get3A_433 = vector.shape_cast %get3A_432 : vector<1x16xf32> to vector<16xf32>
        %mul3A_434 = arith.constant 11.3137083 : f32
        %mul3A_435 = vector.broadcast %mul3A_434 : f32 to vector<16xf32>
        %mul3A_436 = arith.mulf %get3A_433, %mul3A_435 : vector<16xf32>
        %swap3A_437 = arith.index_cast %scan3A_371 : i32 to index
        %swap3A_438 = arith.constant 80 : index
        %swap3A_439 = tpu.vector_load %arg21[%swap3A_437, %swap3A_438] {strides = array<i32>} : memref<40x128xf32, #tpu.memory_space<vmem>>, vector<1x16xf32>,
        %swap3A_440 = vector.shape_cast %swap3A_439 : vector<1x16xf32> to vector<16xf32>
        %swap3A_441 = vector.shape_cast %mul3A_436 : vector<16xf32> to vector<1x16xf32>
        tpu.vector_store %arg21[%swap3A_437, %swap3A_438], %swap3A_441 {strides = array<i32>} : memref<40x128xf32, #tpu.memory_space<vmem>>, vector<1x16xf32>,
        %get3A_442 = arith.index_cast %scan3A_371 : i32 to index
        %get3A_443 = arith.constant 96 : index
        %get3A_444 = tpu.vector_load %arg13[%get3A_442, %get3A_443] {strides = array<i32>} : memref<40x128xf32, #tpu.memory_space<vmem>>, vector<1x16xf32>,
        %get3A_445 = vector.shape_cast %get3A_444 : vector<1x16xf32> to vector<16xf32>
        %mul3A_446 = arith.constant 11.3137083 : f32
        %mul3A_447 = vector.broadcast %mul3A_446 : f32 to vector<16xf32>
        %mul3A_448 = arith.mulf %get3A_445, %mul3A_447 : vector<16xf32>
        %swap3A_449 = arith.index_cast %scan3A_371 : i32 to index
        %swap3A_450 = arith.constant 96 : index
        %swap3A_451 = tpu.vector_load %arg21[%swap3A_449, %swap3A_450] {strides = array<i32>} : memref<40x128xf32, #tpu.memory_space<vmem>>, vector<1x16xf32>,
        %swap3A_452 = vector.shape_cast %swap3A_451 : vector<1x16xf32> to vector<16xf32>
        %swap3A_453 = vector.shape_cast %mul3A_448 : vector<16xf32> to vector<1x16xf32>
        tpu.vector_store %arg21[%swap3A_449, %swap3A_450], %swap3A_453 {strides = array<i32>} : memref<40x128xf32, #tpu.memory_space<vmem>>, vector<1x16xf32>,
        %get3A_454 = arith.index_cast %scan3A_371 : i32 to index
        %get3A_455 = arith.constant 112 : index
        %get3A_456 = tpu.vector_load %arg13[%get3A_454, %get3A_455] {strides = array<i32>} : memref<40x128xf32, #tpu.memory_space<vmem>>, vector<1x16xf32>,
        %get3A_457 = vector.shape_cast %get3A_456 : vector<1x16xf32> to vector<16xf32>
        %mul3A_458 = arith.constant 11.3137083 : f32
        %mul3A_459 = vector.broadcast %mul3A_458 : f32 to vector<16xf32>
        %mul3A_460 = arith.mulf %get3A_457, %mul3A_459 : vector<16xf32>
        %swap3A_461 = arith.index_cast %scan3A_371 : i32 to index
        %swap3A_462 = arith.constant 112 : index
        %swap3A_463 = tpu.vector_load %arg21[%swap3A_461, %swap3A_462] {strides = array<i32>} : memref<40x128xf32, #tpu.memory_space<vmem>>, vector<1x16xf32>,
        %swap3A_464 = vector.shape_cast %swap3A_463 : vector<1x16xf32> to vector<16xf32>
        %swap3A_465 = vector.shape_cast %mul3A_460 : vector<16xf32> to vector<1x16xf32>
        tpu.vector_store %arg21[%swap3A_461, %swap3A_462], %swap3A_465 {strides = array<i32>} : memref<40x128xf32, #tpu.memory_space<vmem>>, vector<1x16xf32>,
      }
      %scan3A_359 = arith.constant 40 : i32
      %dma_start3A_360 = arith.constant 0 : i32
      %dma_start3A_361 = tpu.memref_slice %arg4[%add3A_342, %dma_start3A_360] : memref<819200x128xf32, #tpu.memory_space<hbm>> -> memref<40x128xf32, #tpu.memory_space<hbm>>
      %dma_start3A_362 = arith.constant 0 : i32
      %dma_start3A_363 = tpu.memref_slice %arg4[%add3A_342, %dma_start3A_362] : memref<819200x128xf32, #tpu.memory_space<hbm>> -> memref<40x128xf32, #tpu.memory_space<hbm>>
      tpu.enqueue_dma source(%arg21 : memref<40x128xf32, #tpu.memory_space<vmem>>) target(%dma_start3A_363 : memref<40x128xf32, #tpu.memory_space<hbm>>) target_semaphore(%arg37 : memref<!tpu.dma_semaphore, #tpu.memory_space<semaphore_mem>>)
      %add3A_364 = arith.constant 8 : i32
      %add3A_365 = arith.addi %add3A_339, %add3A_364 : i32
      %lt3A_366 = arith.constant 640 : i32
      %lt3A_367 = arith.cmpi slt, %add3A_365, %lt3A_366 : i32
      %convert_element_type3A_368 = arith.extui %lt3A_367 : i1 to i32
      %cond3A_369 = arith.constant 0 : i32
      %cond3A_370 = arith.cmpi ne, %convert_element_type3A_368, %cond3A_369 : i32
      scf.if %cond3A_370 {
        %add3A_371 = arith.constant 8 : i32
        %add3A_372 = arith.addi %add3A_339, %add3A_371 : i32
        %mul3A_373 = arith.constant 40 : i32
        %mul3A_374 = arith.muli %add3A_372, %mul3A_373 : i32
        %dma_start3A_375 = tpu.memref_slice %arg5[%mul3A_374] : memref<25600xi32, #tpu.memory_space<vmem>> -> memref<40xi32, #tpu.memory_space<vmem>>
        %dma_start3A_376 = arith.constant 0 : i32
        %dma_start3A_377 = arith.constant 0 : i32
        %dma_start3A_378 = tpu.memref_slice %arg3[%dma_start3A_376, %dma_start3A_377] : memref<1000000x128xf32, #tpu.memory_space<hbm>> -> memref<1000000x128xf32, #tpu.memory_space<hbm>>
        tpu.enqueue_indirect_dma source(%dma_start3A_378 : memref<1000000x128xf32, #tpu.memory_space<hbm>>) target(%arg13 : memref<40x128xf32, #tpu.memory_space<vmem>>) offsets(%dma_start3A_375 : memref<40xi32, #tpu.memory_space<vmem>>) semaphore(%arg29 : memref<!tpu.dma_semaphore, #tpu.memory_space<semaphore_mem>>)
      } else {
      }
    }
    %scan3A_46 = arith.constant 80 : i32
    %add3A_47 = arith.constant 25280 : i32
    %add3A_48 = arith.addi %mul3A_2, %add3A_47 : i32
    %dma_wait3A = arith.constant 0 : i32
    %dma_wait3A_49 = tpu.memref_slice %arg4[%add3A_48, %dma_wait3A] : memref<819200x128xf32, #tpu.memory_space<hbm>> -> memref<40x128xf32, #tpu.memory_space<hbm>>
    %dma_wait3A_50 = arith.constant 0 : i32
    %dma_wait3A_51 = tpu.memref_slice %arg4[%add3A_48, %dma_wait3A_50] : memref<819200x128xf32, #tpu.memory_space<hbm>> -> memref<40x128xf32, #tpu.memory_space<hbm>>
    tpu.wait_dma2 semaphore(%arg30 : memref<!tpu.dma_semaphore, #tpu.memory_space<semaphore_mem>>) src(%arg14 : memref<40x128xf32, #tpu.memory_space<vmem>>) dst(%dma_wait3A_51 : memref<40x128xf32, #tpu.memory_space<hbm>>)
    %add3A_52 = arith.constant 25320 : i32
    %add3A_53 = arith.addi %mul3A_2, %add3A_52 : i32
    %dma_wait3A_54 = arith.constant 0 : i32
    %dma_wait3A_55 = tpu.memref_slice %arg4[%add3A_53, %dma_wait3A_54] : memref<819200x128xf32, #tpu.memory_space<hbm>> -> memref<40x128xf32, #tpu.memory_space<hbm>>
    %dma_wait3A_56 = arith.constant 0 : i32
    %dma_wait3A_57 = tpu.memref_slice %arg4[%add3A_53, %dma_wait3A_56] : memref<819200x128xf32, #tpu.memory_space<hbm>> -> memref<40x128xf32, #tpu.memory_space<hbm>>
    tpu.wait_dma2 semaphore(%arg31 : memref<!tpu.dma_semaphore, #tpu.memory_space<semaphore_mem>>) src(%arg15 : memref<40x128xf32, #tpu.memory_space<vmem>>) dst(%dma_wait3A_57 : memref<40x128xf32, #tpu.memory_space<hbm>>)
    %add3A_58 = arith.constant 25360 : i32
    %add3A_59 = arith.addi %mul3A_2, %add3A_58 : i32
    %dma_wait3A_60 = arith.constant 0 : i32
    %dma_wait3A_61 = tpu.memref_slice %arg4[%add3A_59, %dma_wait3A_60] : memref<819200x128xf32, #tpu.memory_space<hbm>> -> memref<40x128xf32, #tpu.memory_space<hbm>>
    %dma_wait3A_62 = arith.constant 0 : i32
    %dma_wait3A_63 = tpu.memref_slice %arg4[%add3A_59, %dma_wait3A_62] : memref<819200x128xf32, #tpu.memory_space<hbm>> -> memref<40x128xf32, #tpu.memory_space<hbm>>
    tpu.wait_dma2 semaphore(%arg32 : memref<!tpu.dma_semaphore, #tpu.memory_space<semaphore_mem>>) src(%arg16 : memref<40x128xf32, #tpu.memory_space<vmem>>) dst(%dma_wait3A_63 : memref<40x128xf32, #tpu.memory_space<hbm>>)
    %add3A_64 = arith.constant 25400 : i32
    %add3A_65 = arith.addi %mul3A_2, %add3A_64 : i32
    %dma_wait3A_66 = arith.constant 0 : i32
    %dma_wait3A_67 = tpu.memref_slice %arg4[%add3A_65, %dma_wait3A_66] : memref<819200x128xf32, #tpu.memory_space<hbm>> -> memref<40x128xf32, #tpu.memory_space<hbm>>
    %dma_wait3A_68 = arith.constant 0 : i32
    %dma_wait3A_69 = tpu.memref_slice %arg4[%add3A_65, %dma_wait3A_68] : memref<819200x128xf32, #tpu.memory_space<hbm>> -> memref<40x128xf32, #tpu.memory_space<hbm>>
    tpu.wait_dma2 semaphore(%arg33 : memref<!tpu.dma_semaphore, #tpu.memory_space<semaphore_mem>>) src(%arg17 : memref<40x128xf32, #tpu.memory_space<vmem>>) dst(%dma_wait3A_69 : memref<40x128xf32, #tpu.memory_space<hbm>>)
    %add3A_70 = arith.constant 25440 : i32
    %add3A_71 = arith.addi %mul3A_2, %add3A_70 : i32
    %dma_wait3A_72 = arith.constant 0 : i32
    %dma_wait3A_73 = tpu.memref_slice %arg4[%add3A_71, %dma_wait3A_72] : memref<819200x128xf32, #tpu.memory_space<hbm>> -> memref<40x128xf32, #tpu.memory_space<hbm>>
    %dma_wait3A_74 = arith.constant 0 : i32
    %dma_wait3A_75 = tpu.memref_slice %arg4[%add3A_71, %dma_wait3A_74] : memref<819200x128xf32, #tpu.memory_space<hbm>> -> memref<40x128xf32, #tpu.memory_space<hbm>>
    tpu.wait_dma2 semaphore(%arg34 : memref<!tpu.dma_semaphore, #tpu.memory_space<semaphore_mem>>) src(%arg18 : memref<40x128xf32, #tpu.memory_space<vmem>>) dst(%dma_wait3A_75 : memref<40x128xf32, #tpu.memory_space<hbm>>)
    %add3A_76 = arith.constant 25480 : i32
    %add3A_77 = arith.addi %mul3A_2, %add3A_76 : i32
    %dma_wait3A_78 = arith.constant 0 : i32
    %dma_wait3A_79 = tpu.memref_slice %arg4[%add3A_77, %dma_wait3A_78] : memref<819200x128xf32, #tpu.memory_space<hbm>> -> memref<40x128xf32, #tpu.memory_space<hbm>>
    %dma_wait3A_80 = arith.constant 0 : i32
    %dma_wait3A_81 = tpu.memref_slice %arg4[%add3A_77, %dma_wait3A_80] : memref<819200x128xf32, #tpu.memory_space<hbm>> -> memref<40x128xf32, #tpu.memory_space<hbm>>
    tpu.wait_dma2 semaphore(%arg35 : memref<!tpu.dma_semaphore, #tpu.memory_space<semaphore_mem>>) src(%arg19 : memref<40x128xf32, #tpu.memory_space<vmem>>) dst(%dma_wait3A_81 : memref<40x128xf32, #tpu.memory_space<hbm>>)
    %add3A_82 = arith.constant 25520 : i32
    %add3A_83 = arith.addi %mul3A_2, %add3A_82 : i32
    %dma_wait3A_84 = arith.constant 0 : i32
    %dma_wait3A_85 = tpu.memref_slice %arg4[%add3A_83, %dma_wait3A_84] : memref<819200x128xf32, #tpu.memory_space<hbm>> -> memref<40x128xf32, #tpu.memory_space<hbm>>
    %dma_wait3A_86 = arith.constant 0 : i32
    %dma_wait3A_87 = tpu.memref_slice %arg4[%add3A_83, %dma_wait3A_86] : memref<819200x128xf32, #tpu.memory_space<hbm>> -> memref<40x128xf32, #tpu.memory_space<hbm>>
    tpu.wait_dma2 semaphore(%arg36 : memref<!tpu.dma_semaphore, #tpu.memory_space<semaphore_mem>>) src(%arg20 : memref<40x128xf32, #tpu.memory_space<vmem>>) dst(%dma_wait3A_87 : memref<40x128xf32, #tpu.memory_space<hbm>>)
    %add3A_88 = arith.constant 25560 : i32
    %add3A_89 = arith.addi %mul3A_2, %add3A_88 : i32
    %dma_wait3A_90 = arith.constant 0 : i32
    %dma_wait3A_91 = tpu.memref_slice %arg4[%add3A_89, %dma_wait3A_90] : memref<819200x128xf32, #tpu.memory_space<hbm>> -> memref<40x128xf32, #tpu.memory_space<hbm>>
    %dma_wait3A_92 = arith.constant 0 : i32
    %dma_wait3A_93 = tpu.memref_slice %arg4[%add3A_89, %dma_wait3A_92] : memref<819200x128xf32, #tpu.memory_space<hbm>> -> memref<40x128xf32, #tpu.memory_space<hbm>>
    tpu.wait_dma2 semaphore(%arg37 : memref<!tpu.dma_semaphore, #tpu.memory_space<semaphore_mem>>) src(%arg21 : memref<40x128xf32, #tpu.memory_space<vmem>>) dst(%dma_wait3A_93 : memref<40x128xf32, #tpu.memory_space<hbm>>)
    return
  }
}

</mosaic_0001>

<sc_bundles>
// kernel: kernel.3.cloned.1.call-start
scs
__scs_entry_jumppad:
0x0: {  	(pc) =	sbr.rel $0x88, $3  }
0x1: {  	(tag) =	ssettag $0x0;
	lr =	simm.s32 $0x1  }
0x2: {  	[smem:$0x3F9F] =	sst lr;
	_ =	strace $0xD0000000  }
0x3: {  	_ = 	snop  }
0x4: {  	_ = 	snop  }
0x5: {  	_ = 	snop  }
0x6: {  	_ = 	snop  }
0x7: {  	_ = 	snop  }
__scs_overlays_trampoline_lowered:
0x8: {  	[smem:$0x3FAE] =	sst s0  }
0x9: {  	[smem:$0x3FAF] =	sst s1  }
0xa: {  	[smem:$0x3FB0] =	sst s2  }
0xb: {  	[smem:$0x3FB1] =	sst s3  }
0xc: {  	[smem:$0x3FB2] =	sst s4  }
0xd: {  	[smem:$0x3FB3] =	sst s5  }
0xe: {  	[smem:$0x3FB4] =	sst s6  }
0xf: {  	[smem:$0x3FB5] =	sst s7  }
0x10: {  	[smem:$0x3FB6] =	sst s8  }
0x11: {  	[smem:$0x3FB7] =	sst s9;
	s0 =	simm.s32 @!p0 $0x0  }
0x12: {  	s1 =	sld [smem:$0x3F9D];
	s0 =	simm.s32 @p0 $0x1  }
0x13: {  	[smem:$0x3FB8] =	sst s0;
	s0 =	simm.s32 @!p1 $0x0  }
0x14: {  	s2 =	sld [smem:$0x3F9C];
	s0 =	simm.s32 @p1 $0x1  }
0x15: {  	[smem:$0x3FB9] =	sst s0;
	s0 =	simm.s32 @!p2 $0x0  }
0x16: {  	s3 =	sld [smem:$0x3FDB];
	s0 =	simm.s32 @p2 $0x1  }
0x17: {  	s4 =	simm.s32 $0x1BF5;
	[smem:$0x3FBB] =	sst s0  }
0x18: {  	s0 =	sld [smem:$0x3F9E];
	_ =	swait.ge [sflag:s4], $0x0  }
0x19: {  	s7 =	sld [smem:$0x3F9F]  }
0x1a: {  	s8 =	sadd.s32 $0xFFFFE003, lr  }
0x1b: {  	s9 =	sadd.s32 $0xFFFFFEF7, lr;
	s5 =	simm.s32 $0xFFFFFFFF;
	p2 =	slt.u32 s8, $0xFFFFF086  }
0x1c: {  	p1 =	slt.u32 s9, $0xF7A;
	s5 =	simm.s32 @!p2 $0x0  }
0x1d: {  	s5 =	simm.s32 @p1 $0x1;
	p0 =	seq.s32 s7, s2  }
0x1e: {  	s7 =	smul.u32 @!p0 $0xF7A, s2;
	p2 =	seq.s32 @!p0 s5, $0x0  }
0x1f: {  	s9 =	smul.u32 $0xF7A, s1;
	s8 =	simm.s32 @!p0 $0x1BF5;
	p2 =	por !p2, p0  }
0x20: {  	[sflag:s8] =	ssyncset.s32 @!p0 $0xFFFFF086;
	s6 =	sadd.s32 @!p0 s3, s7;
	s7 =	simm.s32 @!p0 $0x108  }
0x21: {  	s3 =	sadd.s32 s3, s9;
	s6 =	sadd.s32 @!p0 $0x88, s6;
	s7 =	simm.s32 @p2 $0x1082  }
0x22: {  	[simem:s7], [sflag:s8] =	dma.local @!p0 [hbm:s6], $0xF7A  }
0x23: {  	s9 =	sor.u32 $0xD0000000, s2;
	s6 =	simm.s32 $0x108;
	_ =	swait.ge @!p0 [sflag:s8], $0x0  }
0x24: {  	s3 =	sadd.s32 $0x88, s3;
	s6 =	simm.s32 @!p1 $0x1082;
	[sflag:s4] =	ssyncset.s32 $0xFFFFF086  }
0x25: {  	[simem:s6], [sflag:s4] =	dma.local [hbm:s3], $0xF7A  }
0x26: {  	[smem:$0x3F9F] =	sst s1;
	(tag) =	ssettag s2;
	_ =	strace s9  }
0x27: {  	s1 =	sld [smem:$0x3FAF]  }
0x28: {  	s2 =	sld [smem:$0x3FB0]  }
0x29: {  	s4 =	sld [smem:$0x3FB2]  }
0x2a: {  	p0 =	seq.s32 s5, $0x0;
	s5 =	sld [smem:$0x3FB3]  }
0x2b: {  	s6 =	sld [smem:$0x3FB4]  }
0x2c: {  	s7 =	sld [smem:$0x3FB5]  }
0x2d: {  	s3 =	simm.s32 $0x108;
	s8 =	sld [smem:$0x3FB6]  }
0x2e: {  	s3 =	simm.s32 @!p0 $0x1082;
	s9 =	sld [smem:$0x3FB7]  }
0x2f: {  	lr =	sadd.s32 s0, s3;
	s0 =	sld [smem:$0x3FAE]  }
0x30: {  	s3 =	sld [smem:$0x3FB1]  }
0x31: {  	[smem:$0x3FBA] =	sst s10  }
0x32: {  	s10 =	sld [smem:$0x3FB8];
	_ =	sdelay $0x3  }
0x33: {  	p0 =	seq.s32 s10, $0x1;
	s10 =	sld [smem:$0x3FBA];
	_ =	sdelay $0x3  }
0x34: {  	[smem:$0x3FBA] =	sst s10  }
0x35: {  	s10 =	sld [smem:$0x3FB9];
	_ =	sdelay $0x3  }
0x36: {  	p1 =	seq.s32 s10, $0x1;
	s10 =	sld [smem:$0x3FBA];
	_ =	sdelay $0x3  }
0x37: {  	[smem:$0x3FBA] =	sst s10  }
0x38: {  	s10 =	sld [smem:$0x3FBB]  }
0x39: {  	_ = 	snop;
	(pc) =	sbr.ind lr, $3  }
0x3a: {  	_ = 	snop  }
0x3b: {  	_ = 	snop  }
0x3c: {  	p2 =	seq.s32 s10, $0x1;
	s10 =	sld [smem:$0x3FBA]  }
0x3d: {  	_ =	shalt  }
0x3e: {  	_ =	shalt  }
0x3f: {  	_ =	shalt  }
0x40: {  	_ =	shalt  }
0x41: {  	_ =	shalt  }
0x42: {  	_ =	shalt  }
0x43: {  	_ =	shalt  }
0x44: {  	_ =	shalt  }
0x45: {  	_ =	shalt  }
0x46: {  	_ =	shalt  }
0x47: {  	_ =	shalt  }
0x48: {  	_ =	shalt  }
0x49: {  	_ =	shalt  }
0x4a: {  	_ =	shalt  }
0x4b: {  	_ =	shalt  }
0x4c: {  	_ =	shalt  }
0x4d: {  	_ =	shalt  }
0x4e: {  	_ =	shalt  }
0x4f: {  	_ =	shalt  }
0x50: {  	_ =	shalt  }
0x51: {  	_ =	shalt  }
0x52: {  	_ =	shalt  }
0x53: {  	_ =	shalt  }
0x54: {  	_ =	shalt  }
0x55: {  	_ =	shalt  }
0x56: {  	_ =	shalt  }
0x57: {  	_ =	shalt  }
0x58: {  	_ =	shalt  }
0x59: {  	_ =	shalt  }
0x5a: {  	_ =	shalt  }
0x5b: {  	_ =	shalt  }
0x5c: {  	_ =	shalt  }
0x5d: {  	_ =	shalt  }
0x5e: {  	_ =	shalt  }
0x5f: {  	_ =	shalt  }
0x60: {  	_ =	shalt  }
0x61: {  	_ =	shalt  }
0x62: {  	_ =	shalt  }
0x63: {  	_ =	shalt  }
0x64: {  	_ =	shalt  }
0x65: {  	_ =	shalt  }
0x66: {  	_ =	shalt  }
0x67: {  	_ =	shalt  }
0x68: {  	_ =	shalt  }
0x69: {  	_ =	shalt  }
0x6a: {  	_ =	shalt  }
0x6b: {  	_ =	shalt  }
0x6c: {  	_ =	shalt  }
0x6d: {  	_ =	shalt  }
0x6e: {  	_ =	shalt  }
0x6f: {  	_ =	shalt  }
0x70: {  	_ =	shalt  }
0x71: {  	_ =	shalt  }
0x72: {  	_ =	shalt  }
0x73: {  	_ =	shalt  }
0x74: {  	_ =	shalt  }
0x75: {  	_ =	shalt  }
0x76: {  	_ =	shalt  }
0x77: {  	_ =	shalt  }
0x78: {  	_ =	shalt  }
0x79: {  	_ =	shalt  }
0x7a: {  	_ =	shalt  }
0x7b: {  	_ =	shalt  }
0x7c: {  	_ =	shalt  }
0x7d: {  	_ =	shalt  }
0x7e: {  	_ =	shalt  }
0x7f: {  	_ =	shalt  }
0x80: {  	_ =	shalt  }
0x81: {  	_ =	shalt  }
0x82: {  	_ =	shalt  }
0x83: {  	_ =	shalt  }
0x84: {  	_ =	shalt  }
0x85: {  	_ =	shalt  }
0x86: {  	_ =	shalt  }
0x87: {  	_ =	shalt  }
.Lfunc_end0:
.L_simem_size_0:
called_computation_lowered:
.L_overlay_start_0:
0x88: {  	s2 =	sld [smem:$0x3FD9]  }
0x89: {  	s3 =	sld [smem:$0x3FFE];
	_ =	sdelay $0x1  }
0x8a: {  	s1 =	srdreg.scid  }
0x8b: {  	s0 =	sand.u32 $0x1, s1  }
0x8c: {  	s17 =	sshll.u32 s0, $0xA;
	s2 =	sadd.s32 s3, s2  }
0x8d: {  	s2 =	sadd.s32 s2, s17  }
0x8e: {  	[smem:$0x3FC6] =	sst s2  }
0x8f: {  	_ = 	snop  }
0x90: {  	s2 =	sld [smem:$0x3FC8]  }
0x91: {  	s18 =	sld [smem:$0x3FD0];
	(tm) =	ssettm $0x1  }
0x92: {  	s4 =	sld [smem:$0x3FFB];
	_ =	sdelay $0x3  }
0x93: {  	_ =	strace s4  }
0x94: {  	s4 =	sld [smem:$0x3FFC];
	_ =	sdelay $0x3  }
0x95: {  	_ =	strace s4  }
0x96: {  	s4 =	sld [smem:$0x3FFD];
	_ =	sdelay $0x3  }
0x97: {  	_ =	strace s4  }
0x98: {  	_ =	strace $0x8FFFFFFF  }
0x99: {  	s19 =	sld [smem:$0x3FDB];
	_ =	sdelay $0x1  }
0x9a: {  	s5 =	simm.s32 $_scs_section_size  }
0x9b: {  	s6 =	simm.s32 $_size__tile_overlayer_lowered;
	s7 =	simm.s32 $_tile_overlayer_lowered  }
0x9c: {  	s22 =	simm.s32 $0x1BFF;
	s21 =	sshll.u32 s7, $0x1;
	s4 =	sadd.s32 s5, s19  }
0x9d: {  	s8 =	simm.s32 $0x0;
	s20 =	sshll.u32 s6, $0x1;
	s6 =	sadd.s32 s21, s4  }
0x9e: {  	[timem:s8], [sflag:s22] =	dma.local [hbm:s6], s20  }
0x9f: {  	_ =	swait.ge [sflag:s22], s20  }
0xa0: {  	s5 =	ssub.s32 $0x0, s20;
	[sflag:s22] =	ssyncset.done $0x0  }
0xa1: {  	[sflag:s22] =	ssyncadd.s32 s5;
	_ =	sdelay $0x1  }
0xa2: {  	s23 =	simm.s32 $0x1B8B  }
0xa3: {  	_ =	swait.ge [sflag:s23], $0x1  }
0xa4: {  	[sflag:s23] =	ssyncset.done $0x0  }
0xa5: {  	s25 =	simm.s32 $0x1B8E;
	s24 =	sld [smem:$0x3FFE];
	[sflag:s23] =	ssyncadd.s32 $0xFFFFFFFF  }
0xa6: {  	s26 =	simm.s32 $execute0_lowered;
	[smem:$0x3FD2] =	sst s25  }
0xa7: {  	s6 =	sshll.u32 s26, $0x1;
	_ =	strace $0x80000046;
	[dreg:$0x1] =	wrdreg $0xFFFFFFFF  }
0xa8: {  	s28 =	simm.s32 $_size_execute0_lowered;
	s4 =	sadd.s32 s4, s6;
	[dreg:$0x0] =	wrdreg $0x0  }
0xa9: {  	s6 =	sshll.u32 s28, $0x1;
	[dreg:$0x2] =	wrdreg s4  }
0xaa: {  	[dreg:$0x3] =	wrdreg s6  }
0xab: {  	[dreg:$0x4] =	wrdreg $0xC0  }
0xac: {  	_ =	task [dreg:s8], $0x5FFFF  }
0xad: {  	[dreg:$0x1] =	wrdreg $0xFFFFFFFF  }
0xae: {  	[dreg:$0x0] =	wrdreg $0x60  }
0xaf: {  	[dreg:$0x2] =	wrdreg s24  }
0xb0: {  	[dreg:$0x3] =	wrdreg s2  }
0xb1: {  	[dreg:$0x4] =	wrdreg s18  }
0xb2: {  	[dreg:$0x5] =	wrdreg $0x9  }
0xb3: {  	_ =	task.clear_ibuf [dreg:s8], $0x6FFFF;
	_ =	strace $0x90000046  }
0xb4: {  	s29 =	simm.s32 $0x9;
	_ =	strace $0x80000048  }
0xb5: {  	_ =	swait.ge [sflag:s29], $0x1  }
0xb6: {  	[sflag:s29] =	ssyncadd.s32 $0xFFFFFFFF  }
0xb7: {  	_ =	strace $0x90000048  }
0xb8: {  	_ =	sfence  }
0xb9: {  	s30 =	sld [smem:$0x0];
	_ =	sdelay $0x2  }
0xba: {  	s31 =	sshll.u32 s1, $0xD;
	s1 =	sshrl.u32 s1, $0x2  }
0xbb: {  	s3 =	sand.u32 $0x4000, s31;
	s1 =	sadd.s32 s1, s30  }
0xbc: {  	s0 =	sor.u32 s3, s0;
	s1 =	sshll.u32 s1, $0x11  }
0xbd: {  	s0 =	sor.u32 s1, s0  }
0xbe: {  	s0 =	sadd.s32 $0x8F2B, s0  }
0xbf: {  	[sflag:s0] =	ssyncadd.remote.s32 $0x1  }
0xc0: {  	_ =	sfence.sel $0xFFFF  }
0xc1: {  	[dreg:$0x0] =	wrdreg $0xFFFFFFFF;
	(pc) =	sbr.abs _section_cstart, $3  }
0xc2: {  	[dreg:$0x1] =	wrdreg $0xFFFFFFFF  }
0xc3: {  	_ =	task.clear_ibuf [dreg:s8], $0x2FFFF;
	_ =	strace $0x9FFFFFFF  }
0xc4: {  	(tm) =	ssettm $0x7FFFFFFF  }
0xc5: {  	_ =	shalt  }
tec
execute0_lowered:
.L_overlay_start_1:
0x0: {  	(tag) =	ssettag $0x1  }
0x1: {  	s0 =	srdreg.scid  }
0x2: {  	s2 =	stileid.u32;
	s1 =	rddreg [dreg:$0x0];
	s5 =	simm.s32 $0x0  }
0x3: {  	s16 =	simm.s32 $0x28;
	s17 =	simm.s32 $0x2;
	s19 =	simm.s32 $0x3  }
0x4: {  	s21 =	simm.s32 $0x4;
	s23 =	simm.s32 $0x5;
	s24 =	simm.s32 $0x15400  }
0x5: {  	s25 =	simm.s32 $0x6;
	s26 =	simm.s32 $0x16800;
	s28 =	simm.s32 $0x7  }
0x6: {  	s29 =	simm.s32 $0x17C00;
	s0 =	sand.u32 $0x1, s0;
	s3 =	sshll.u32 s2, $0x1  }
0x7: {  	s30 =	simm.s32 $0x8;
	s2 =	rddreg [dreg:$0x1];
	s4 =	sor.u32 s0, s3  }
0x8: {  	[smem:$0x7FF] =	sst s5;
	s0 =	ssub.s32 $0x2, s0;
	s4 =	smul.u32 $0x6400, s4  }
0x9: {  	s15 =	simm.s32 $0x0;
	s3 =	rddreg [dreg:$0x2];
	s31 =	sshrl.u32 s0, $0x1  }
0xa: {  	_ =	strace $0x80000047;
	s0 =	ssub.s32 s0, s31;
	s6 =	sshrl.u32 s4, $0x3  }
.Ltmp0:
0xb: {  	s7 =	sor.u32 $0x28, s4;
	s8 =	sor.u32 $0x50, s4;
	(pc) =	sbr.rel .LBB2_1-.Ltmp0, $4  }
0xc: {  	s9 =	sor.u32 $0x78, s4;
	s10 =	sor.u32 $0xA0, s4;
	s11 =	sor.u32 $0xC8, s4  }
0xd: {  	s12 =	sor.u32 $0xF0, s4;
	s0 =	smax.u32 s0, $0x1;
	s1 =	sadd.s32 s6, s1  }
0xe: {  	s13 =	sor.u32 $0x118, s4;
	[dreg:$0x5] =	wrdreg s0;
	s1 =	sadd.s32 $0x400, s1  }
0xf: {  	s6 =	simm.s32 $0x19000;
	[dreg:$0x4] =	wrdreg s1;
	s1 =	simm.s32 $0x1  }
.LBB2_20:
0x10: {  	s0 =	simm.s32 $0x9  }
0x11: {  	_ =	swait.ge [sflag:s0], $0x1400  }
0x12: {  	[sflag:s0] =	ssyncset.done $0x0  }
0x13: {  	s31 =	simm.s32 $0xA;
	[sflag:s0] =	ssyncadd.s32 $0xFFFFEC00  }
0x14: {  	_ =	swait.ge [sflag:s31], $0x1400  }
0x15: {  	[sflag:s31] =	ssyncset.done $0x0  }
0x16: {  	s14 =	simm.s32 $0xB;
	[sflag:s31] =	ssyncadd.s32 $0xFFFFEC00  }
0x17: {  	_ =	swait.ge [sflag:s14], $0x1400  }
0x18: {  	[sflag:s14] =	ssyncset.done $0x0  }
0x19: {  	s15 =	simm.s32 $0xC;
	[sflag:s14] =	ssyncadd.s32 $0xFFFFEC00  }
0x1a: {  	_ =	swait.ge [sflag:s15], $0x1400  }
0x1b: {  	[sflag:s15] =	ssyncset.done $0x0  }
0x1c: {  	s18 =	simm.s32 $0xD;
	[sflag:s15] =	ssyncadd.s32 $0xFFFFEC00  }
0x1d: {  	_ =	swait.ge [sflag:s18], $0x1400  }
0x1e: {  	[sflag:s18] =	ssyncset.done $0x0  }
0x1f: {  	s20 =	simm.s32 $0xE;
	[sflag:s18] =	ssyncadd.s32 $0xFFFFEC00  }
0x20: {  	_ =	swait.ge [sflag:s20], $0x1400  }
0x21: {  	[sflag:s20] =	ssyncset.done $0x0  }
0x22: {  	s22 =	simm.s32 $0xF;
	[sflag:s20] =	ssyncadd.s32 $0xFFFFEC00  }
0x23: {  	_ =	swait.ge [sflag:s22], $0x1400  }
0x24: {  	[sflag:s22] =	ssyncset.done $0x0  }
0x25: {  	s14 =	simm.s32 $0x10;
	[sflag:s22] =	ssyncadd.s32 $0xFFFFEC00  }
0x26: {  	_ =	swait.ge [sflag:s14], $0x1400  }
0x27: {  	s15 =	rddreg [dreg:$0x6]  }
0x28: {  	s31 =	rddreg [dreg:$0x5];
	s15 =	sadd.s32 $0x1, s15  }
0x29: {  	p0 =	sne.s32 s15, s31  }
.Ltmp1:
0x2a: {  	_ = 	snop;
	(pc) =	sbr.rel @!p0 .LBB2_21-.Ltmp1, $3  }
0x2b: {  	_ =	sdelay $0x1  }
0x2c: {  	[sflag:s14] =	ssyncset.done $0x0  }
0x2d: {  	[sflag:s14] =	ssyncadd.s32 $0xFFFFEC00  }
.LBB2_1:
0x2e: {  	[dreg:$0x6] =	wrdreg s15  }
0x2f: {  	s0 =	rddreg [dreg:$0x4];
	s22 =	simm.s32 $0x11  }
0x30: {  	[tilespmem:s5], [sflag:$0x11] =	stream.linear.gather [hbm4b:s0+s5], $0x6400, $0x38;
	[tilespmem:$0x1A400] =	vst v63  }
0x31: {  	_ =	swait.ge [sflag:s22], $0x6400  }
0x32: {  	[sflag:s22] =	ssyncset.done $0x0  }
0x33: {  	s31 =	simm.s32 $0x6400;
	[sflag:s22] =	ssyncadd.s32 $0xFFFF9C00  }
0x34: {  	[tilespmem:s31], [sflag:$0x1] =	stream.indirect.gather [hbm4b:s2+s16], $0x80, s5, s16, $0xb8;
	[tilespmem:$0x1A400] =	vst v63  }
0x35: {  	s14 =	simm.s32 $0x7800  }
0x36: {  	[tilespmem:s14], [sflag:$0x2] =	stream.indirect.gather [hbm4b:s2+s16], $0x80, s16, s16, $0xb8;
	[tilespmem:$0x1A400] =	vst v63  }
0x37: {  	s15 =	simm.s32 $0x50;
	s14 =	simm.s32 $0x8C00  }
0x38: {  	[tilespmem:s14], [sflag:$0x3] =	stream.indirect.gather [hbm4b:s2+s16], $0x80, s15, s16, $0xb8;
	[tilespmem:$0x1A400] =	vst v63  }
0x39: {  	s18 =	simm.s32 $0x78;
	s20 =	simm.s32 $0xA000  }
0x3a: {  	[tilespmem:s20], [sflag:$0x4] =	stream.indirect.gather [hbm4b:s2+s16], $0x80, s18, s16, $0xb8;
	[tilespmem:$0x1A400] =	vst v63  }
0x3b: {  	s22 =	simm.s32 $0xA0;
	s31 =	simm.s32 $0xB400  }
0x3c: {  	[tilespmem:s31], [sflag:$0x5] =	stream.indirect.gather [hbm4b:s2+s16], $0x80, s22, s16, $0xb8;
	[tilespmem:$0x1A400] =	vst v63  }
0x3d: {  	s14 =	simm.s32 $0xC8;
	s15 =	simm.s32 $0xC800  }
0x3e: {  	[tilespmem:s15], [sflag:$0x6] =	stream.indirect.gather [hbm4b:s2+s16], $0x80, s14, s16, $0xb8;
	[tilespmem:$0x1A400] =	vst v63  }
0x3f: {  	s18 =	simm.s32 $0xF0;
	s20 =	simm.s32 $0xDC00  }
0x40: {  	[tilespmem:s20], [sflag:$0x7] =	stream.indirect.gather [hbm4b:s2+s16], $0x80, s18, s16, $0xb8;
	[tilespmem:$0x1A400] =	vst v63  }
0x41: {  	s22 =	simm.s32 $0x118;
	s31 =	simm.s32 $0xF000;
	s15 =	simm.s32 $0x0  }
0x42: {  	[tilespmem:s31], [sflag:$0x8] =	stream.indirect.gather [hbm4b:s2+s16], $0x80, s22, s16, $0xb8;
	[tilespmem:$0x1A400] =	vst v63  }
.LBB2_2:
0x43: {  	_ =	swait.ge [sflag:s1], $0x1400  }
0x44: {  	p0 =	seq.s32 s15, $0x0;
	[sflag:s1] =	ssyncset.done $0x0  }
0x45: {  	s0 =	simm.s32 @!p0 $0x9;
	[sflag:s1] =	ssyncadd.s32 $0xFFFFEC00  }
0x46: {  	_ =	swait.ge @!p0 [sflag:s0], $0x1400  }
0x47: {  	[sflag:s0] =	ssyncset.done @!p0 $0x0  }
0x48: {  	s18 =	simm.s32 $0x0;
	[sflag:s0] =	ssyncadd.s32 @!p0 $0xFFFFEC00  }
0x49: {  	v1 =	vld [tilespmem:s18+$0x6470]  }
0x4a: {  	v5 =	vld [tilespmem:s18+$0x6400]  }
0x4b: {  	v6 =	vld [tilespmem:s18+$0x6410]  }
0x4c: {  	v4 =	vld [tilespmem:s18+$0x6420]  }
0x4d: {  	v2 =	vld [tilespmem:s18+$0x6430]  }
0x4e: {  	s14 =	smul.u32 $0x140, s15;
	v0 =	vld [tilespmem:s18+$0x6440];
	v7 =	vmul.f32 $1.131370830e+01, v1  }
0x4f: {  	v1 =	vld [tilespmem:s18+$0x6450];
	v5 =	vmul.f32 $1.131370830e+01, v5  }
0x50: {  	s20 =	simm.s32 $0x400;
	s31 =	sadd.s32 s4, s14;
	s0 =	simm.s32 $0x80;
	v3 =	vld [tilespmem:s18+$0x6460];
	v6 =	vmul.f32 $1.131370830e+01, v6;
	[tilespmem:s18+$0x10470] =	vst v7  }
.LBB2_3:
0x51: {  	p1 =	sne.s32 s20, $0x4E00;
	v7 =	vld [tilespmem:s0+$0x6470];
	[tilespmem:s18+$0x10400] =	vst v5;
	v4 =	vmul.f32 $1.131370830e+01, v4  }
0x52: {  	v5 =	vld [tilespmem:s0+$0x6400];
	[tilespmem:s18+$0x10410] =	vst v6;
	v2 =	vmul.f32 $1.131370830e+01, v2  }
0x53: {  	v6 =	vld [tilespmem:s0+$0x6410];
	[tilespmem:s18+$0x10420] =	vst v4;
	v0 =	vmul.f32 $1.131370830e+01, v0  }
.Ltmp2:
0x54: {  	v4 =	vld [tilespmem:s0+$0x6420];
	[tilespmem:s18+$0x10430] =	vst v2;
	v1 =	vmul.f32 $1.131370830e+01, v1;
	(pc) =	sbr.rel @p1 .LBB2_3-.Ltmp2, $4  }
0x55: {  	v2 =	vld [tilespmem:s0+$0x6430];
	[tilespmem:s18+$0x10440] =	vst v0;
	v3 =	vmul.f32 $1.131370830e+01, v3  }
0x56: {  	v0 =	vld [tilespmem:s0+$0x6440];
	v7 =	vmul.f32 $1.131370830e+01, v7;
	[tilespmem:s18+$0x10450] =	vst v1  }
0x57: {  	v5 =	vmul.f32 $1.131370830e+01, v5;
	v1 =	vld [tilespmem:s0+$0x6450];
	[tilespmem:s18+$0x10460] =	vst v3;
	s18 =	smov.u32 s0  }
0x58: {  	s0 =	sshra.s32 s20, $0x2;
	s20 =	sadd.s32 $0x200, s20;
	v6 =	vmul.f32 $1.131370830e+01, v6;
	v3 =	vld [tilespmem:s18+$0x6460];
	[tilespmem:s18+$0x10470] =	vst v7  }
0x59: {  	v7 =	vld [tilespmem:s0+$0x6470];
	[tilespmem:s18+$0x10400] =	vst v5;
	v4 =	vmul.f32 $1.131370830e+01, v4  }
0x5a: {  	v5 =	vld [tilespmem:s0+$0x6400];
	[tilespmem:s18+$0x10410] =	vst v6;
	v2 =	vmul.f32 $1.131370830e+01, v2  }
0x5b: {  	v6 =	vld [tilespmem:s0+$0x6410];
	[tilespmem:s18+$0x10420] =	vst v4;
	v0 =	vmul.f32 $1.131370830e+01, v0  }
0x5c: {  	v4 =	vld [tilespmem:s0+$0x6420];
	[tilespmem:s18+$0x10430] =	vst v2;
	v1 =	vmul.f32 $1.131370830e+01, v1  }
0x5d: {  	v2 =	vld [tilespmem:s0+$0x6430];
	[tilespmem:s18+$0x10440] =	vst v0;
	v3 =	vmul.f32 $1.131370830e+01, v3  }
0x5e: {  	v0 =	vld [tilespmem:s0+$0x6440];
	[tilespmem:s18+$0x10450] =	vst v1;
	v7 =	vmul.f32 $1.131370830e+01, v7  }
0x5f: {  	v1 =	vld [tilespmem:s0+$0x6450];
	[tilespmem:s18+$0x10460] =	vst v3;
	v3 =	vmul.f32 $1.131370830e+01, v5  }
0x60: {  	v5 =	vld [tilespmem:s0+$0x6460];
	v6 =	vmul.f32 $1.131370830e+01, v6;
	[tilespmem:s0+$0x10470] =	vst v7  }
0x61: {  	[tilespmem:s0+$0x10400] =	vst v3;
	v3 =	vmul.f32 $1.131370830e+01, v4  }
0x62: {  	[tilespmem:s0+$0x10410] =	vst v6;
	v2 =	vmul.f32 $1.131370830e+01, v2  }
0x63: {  	[tilespmem:s0+$0x10420] =	vst v3;
	v0 =	vmul.f32 $1.131370830e+01, v0  }
0x64: {  	p1 =	seq.s32 s15, $0x4F;
	[tilespmem:s0+$0x10430] =	vst v2;
	v1 =	vmul.f32 $1.131370830e+01, v1  }
0x65: {  	s18 =	smul.u32 @!p1 $0x500, s15;
	[tilespmem:s0+$0x10440] =	vst v0;
	v0 =	vmul.f32 $1.131370830e+01, v5  }
0x66: {  	s20 =	sshll.u32 s31, $0x4;
	[tilespmem:s0+$0x10450] =	vst v1  }
0x67: {  	s22 =	sadd.s32 s3, s20;
	s20 =	simm.s32 $0x10400;
	s31 =	sshra.s32 @!p1 s18, $0x2;
	[tilespmem:s0+$0x10460] =	vst v0  }
0x68: {  	[hbm4b:s22+s5] =	stream.linear.scatter [tilespmem:s20], [sflag:$0x9], $0x1400, $0x38;
	[tilespmem:$0x1A400] =	vst v63  }
0x69: {  	s18 =	simm.s32 @!p1 $0x28;
	s0 =	sadd.s32 @!p1 $0x140, s31;
	s20 =	simm.s32 @!p1 $0x6400  }
0x6a: {  	[tilespmem:s20], [sflag:$0x1] =	stream.indirect.gather @!p1 [hbm4b:s2+s18], $0x80, s0, s18, $0xb8;
	[tilespmem:$0x1A400] =	vst v63  }
0x6b: {  	_ =	swait.ge [sflag:s17], $0x1400  }
0x6c: {  	[sflag:s17] =	ssyncset.done $0x0  }
0x6d: {  	s0 =	simm.s32 @!p0 $0xA;
	[sflag:s17] =	ssyncadd.s32 $0xFFFFEC00  }
0x6e: {  	_ =	swait.ge @!p0 [sflag:s0], $0x1400  }
0x6f: {  	[sflag:s0] =	ssyncset.done @!p0 $0x0  }
0x70: {  	s20 =	simm.s32 $0x0;
	[sflag:s0] =	ssyncadd.s32 @!p0 $0xFFFFEC00  }
0x71: {  	v1 =	vld [tilespmem:s20+$0x7870]  }
0x72: {  	v5 =	vld [tilespmem:s20+$0x7800]  }
0x73: {  	v6 =	vld [tilespmem:s20+$0x7810]  }
0x74: {  	v4 =	vld [tilespmem:s20+$0x7820]  }
0x75: {  	v3 =	vld [tilespmem:s20+$0x7830]  }
0x76: {  	v0 =	vld [tilespmem:s20+$0x7840];
	v7 =	vmul.f32 $1.131370830e+01, v1  }
0x77: {  	v1 =	vld [tilespmem:s20+$0x7850];
	v5 =	vmul.f32 $1.131370830e+01, v5  }
0x78: {  	s22 =	simm.s32 $0x400;
	s18 =	simm.s32 $0x80;
	s0 =	sadd.s32 s14, s7;
	v2 =	vld [tilespmem:s20+$0x7860];
	v6 =	vmul.f32 $1.131370830e+01, v6;
	[tilespmem:s20+$0x11870] =	vst v7  }
.LBB2_5:
0x79: {  	p2 =	sne.s32 s22, $0x4E00;
	v7 =	vld [tilespmem:s18+$0x7870];
	[tilespmem:s20+$0x11800] =	vst v5;
	v4 =	vmul.f32 $1.131370830e+01, v4  }
0x7a: {  	v5 =	vld [tilespmem:s18+$0x7800];
	[tilespmem:s20+$0x11810] =	vst v6;
	v3 =	vmul.f32 $1.131370830e+01, v3  }
0x7b: {  	v6 =	vld [tilespmem:s18+$0x7810];
	[tilespmem:s20+$0x11820] =	vst v4;
	v0 =	vmul.f32 $1.131370830e+01, v0  }
.Ltmp3:
0x7c: {  	v4 =	vld [tilespmem:s18+$0x7820];
	[tilespmem:s20+$0x11830] =	vst v3;
	v1 =	vmul.f32 $1.131370830e+01, v1;
	(pc) =	sbr.rel @p2 .LBB2_5-.Ltmp3, $4  }
0x7d: {  	v3 =	vld [tilespmem:s18+$0x7830];
	[tilespmem:s20+$0x11840] =	vst v0;
	v2 =	vmul.f32 $1.131370830e+01, v2  }
0x7e: {  	v0 =	vld [tilespmem:s18+$0x7840];
	v7 =	vmul.f32 $1.131370830e+01, v7;
	[tilespmem:s20+$0x11850] =	vst v1  }
0x7f: {  	v5 =	vmul.f32 $1.131370830e+01, v5;
	v1 =	vld [tilespmem:s18+$0x7850];
	[tilespmem:s20+$0x11860] =	vst v2;
	s20 =	smov.u32 s18  }
0x80: {  	s18 =	sshra.s32 s22, $0x2;
	s22 =	sadd.s32 $0x200, s22;
	v6 =	vmul.f32 $1.131370830e+01, v6;
	v2 =	vld [tilespmem:s20+$0x7860];
	[tilespmem:s20+$0x11870] =	vst v7  }
0x81: {  	v7 =	vld [tilespmem:s18+$0x7870];
	[tilespmem:s20+$0x11800] =	vst v5;
	v4 =	vmul.f32 $1.131370830e+01, v4  }
0x82: {  	v5 =	vld [tilespmem:s18+$0x7800];
	[tilespmem:s20+$0x11810] =	vst v6;
	v3 =	vmul.f32 $1.131370830e+01, v3  }
0x83: {  	v6 =	vld [tilespmem:s18+$0x7810];
	[tilespmem:s20+$0x11820] =	vst v4;
	v0 =	vmul.f32 $1.131370830e+01, v0  }
0x84: {  	v4 =	vld [tilespmem:s18+$0x7820];
	[tilespmem:s20+$0x11830] =	vst v3;
	v1 =	vmul.f32 $1.131370830e+01, v1  }
0x85: {  	v3 =	vld [tilespmem:s18+$0x7830];
	[tilespmem:s20+$0x11840] =	vst v0;
	v2 =	vmul.f32 $1.131370830e+01, v2  }
0x86: {  	v0 =	vld [tilespmem:s18+$0x7840];
	[tilespmem:s20+$0x11850] =	vst v1;
	v7 =	vmul.f32 $1.131370830e+01, v7  }
0x87: {  	v1 =	vld [tilespmem:s18+$0x7850];
	[tilespmem:s20+$0x11860] =	vst v2;
	v2 =	vmul.f32 $1.131370830e+01, v5  }
0x88: {  	v5 =	vld [tilespmem:s18+$0x7860];
	v6 =	vmul.f32 $1.131370830e+01, v6;
	[tilespmem:s18+$0x11870] =	vst v7  }
0x89: {  	[tilespmem:s18+$0x11800] =	vst v2;
	v2 =	vmul.f32 $1.131370830e+01, v4  }
0x8a: {  	[tilespmem:s18+$0x11810] =	vst v6;
	v3 =	vmul.f32 $1.131370830e+01, v3  }
0x8b: {  	[tilespmem:s18+$0x11820] =	vst v2;
	v0 =	vmul.f32 $1.131370830e+01, v0  }
0x8c: {  	[tilespmem:s18+$0x11830] =	vst v3;
	v1 =	vmul.f32 $1.131370830e+01, v1  }
0x8d: {  	[tilespmem:s18+$0x11840] =	vst v0;
	v0 =	vmul.f32 $1.131370830e+01, v5  }
0x8e: {  	s0 =	sshll.u32 s0, $0x4;
	[tilespmem:s18+$0x11850] =	vst v1  }
0x8f: {  	s22 =	simm.s32 $0x11800;
	s0 =	sadd.s32 s3, s0;
	[tilespmem:s18+$0x11860] =	vst v0  }
0x90: {  	[hbm4b:s0+s5] =	stream.linear.scatter [tilespmem:s22], [sflag:$0xA], $0x1400, $0x38;
	[tilespmem:$0x1A400] =	vst v63  }
0x91: {  	s20 =	simm.s32 @!p1 $0x7800;
	s18 =	simm.s32 @!p1 $0x28;
	s0 =	sadd.s32 @!p1 $0x168, s31  }
0x92: {  	[tilespmem:s20], [sflag:$0x2] =	stream.indirect.gather @!p1 [hbm4b:s2+s18], $0x80, s0, s18, $0xb8;
	[tilespmem:$0x1A400] =	vst v63  }
0x93: {  	_ =	swait.ge [sflag:s19], $0x1400  }
0x94: {  	[sflag:s19] =	ssyncset.done $0x0  }
0x95: {  	s0 =	simm.s32 @!p0 $0xB;
	[sflag:s19] =	ssyncadd.s32 $0xFFFFEC00  }
0x96: {  	_ =	swait.ge @!p0 [sflag:s0], $0x1400  }
0x97: {  	[sflag:s0] =	ssyncset.done @!p0 $0x0  }
0x98: {  	s20 =	simm.s32 $0x0;
	[sflag:s0] =	ssyncadd.s32 @!p0 $0xFFFFEC00  }
0x99: {  	v1 =	vld [tilespmem:s20+$0x8C70]  }
0x9a: {  	v5 =	vld [tilespmem:s20+$0x8C00]  }
0x9b: {  	v6 =	vld [tilespmem:s20+$0x8C10]  }
0x9c: {  	v4 =	vld [tilespmem:s20+$0x8C20]  }
0x9d: {  	v3 =	vld [tilespmem:s20+$0x8C30]  }
0x9e: {  	v0 =	vld [tilespmem:s20+$0x8C40];
	v7 =	vmul.f32 $1.131370830e+01, v1  }
0x9f: {  	v1 =	vld [tilespmem:s20+$0x8C50];
	v5 =	vmul.f32 $1.131370830e+01, v5  }
0xa0: {  	s22 =	simm.s32 $0x400;
	s18 =	simm.s32 $0x80;
	s0 =	sadd.s32 s14, s8;
	v2 =	vld [tilespmem:s20+$0x8C60];
	v6 =	vmul.f32 $1.131370830e+01, v6;
	[tilespmem:s20+$0x12C70] =	vst v7  }
.LBB2_7:
0xa1: {  	p2 =	sne.s32 s22, $0x4E00;
	v7 =	vld [tilespmem:s18+$0x8C70];
	[tilespmem:s20+$0x12C00] =	vst v5;
	v4 =	vmul.f32 $1.131370830e+01, v4  }
0xa2: {  	v5 =	vld [tilespmem:s18+$0x8C00];
	[tilespmem:s20+$0x12C10] =	vst v6;
	v3 =	vmul.f32 $1.131370830e+01, v3  }
0xa3: {  	v6 =	vld [tilespmem:s18+$0x8C10];
	[tilespmem:s20+$0x12C20] =	vst v4;
	v0 =	vmul.f32 $1.131370830e+01, v0  }
.Ltmp4:
0xa4: {  	v4 =	vld [tilespmem:s18+$0x8C20];
	[tilespmem:s20+$0x12C30] =	vst v3;
	v1 =	vmul.f32 $1.131370830e+01, v1;
	(pc) =	sbr.rel @p2 .LBB2_7-.Ltmp4, $4  }
0xa5: {  	v3 =	vld [tilespmem:s18+$0x8C30];
	[tilespmem:s20+$0x12C40] =	vst v0;
	v2 =	vmul.f32 $1.131370830e+01, v2  }
0xa6: {  	v0 =	vld [tilespmem:s18+$0x8C40];
	v7 =	vmul.f32 $1.131370830e+01, v7;
	[tilespmem:s20+$0x12C50] =	vst v1  }
0xa7: {  	v5 =	vmul.f32 $1.131370830e+01, v5;
	v1 =	vld [tilespmem:s18+$0x8C50];
	[tilespmem:s20+$0x12C60] =	vst v2;
	s20 =	smov.u32 s18  }
0xa8: {  	s18 =	sshra.s32 s22, $0x2;
	s22 =	sadd.s32 $0x200, s22;
	v6 =	vmul.f32 $1.131370830e+01, v6;
	v2 =	vld [tilespmem:s20+$0x8C60];
	[tilespmem:s20+$0x12C70] =	vst v7  }
0xa9: {  	v7 =	vld [tilespmem:s18+$0x8C70];
	[tilespmem:s20+$0x12C00] =	vst v5;
	v4 =	vmul.f32 $1.131370830e+01, v4  }
0xaa: {  	v5 =	vld [tilespmem:s18+$0x8C00];
	[tilespmem:s20+$0x12C10] =	vst v6;
	v3 =	vmul.f32 $1.131370830e+01, v3  }
0xab: {  	v6 =	vld [tilespmem:s18+$0x8C10];
	[tilespmem:s20+$0x12C20] =	vst v4;
	v0 =	vmul.f32 $1.131370830e+01, v0  }
0xac: {  	v4 =	vld [tilespmem:s18+$0x8C20];
	[tilespmem:s20+$0x12C30] =	vst v3;
	v1 =	vmul.f32 $1.131370830e+01, v1  }
0xad: {  	v3 =	vld [tilespmem:s18+$0x8C30];
	[tilespmem:s20+$0x12C40] =	vst v0;
	v2 =	vmul.f32 $1.131370830e+01, v2  }
0xae: {  	v0 =	vld [tilespmem:s18+$0x8C40];
	[tilespmem:s20+$0x12C50] =	vst v1;
	v7 =	vmul.f32 $1.131370830e+01, v7  }
0xaf: {  	v1 =	vld [tilespmem:s18+$0x8C50];
	[tilespmem:s20+$0x12C60] =	vst v2;
	v2 =	vmul.f32 $1.131370830e+01, v5  }
0xb0: {  	v5 =	vld [tilespmem:s18+$0x8C60];
	v6 =	vmul.f32 $1.131370830e+01, v6;
	[tilespmem:s18+$0x12C70] =	vst v7  }
0xb1: {  	[tilespmem:s18+$0x12C00] =	vst v2;
	v2 =	vmul.f32 $1.131370830e+01, v4  }
0xb2: {  	[tilespmem:s18+$0x12C10] =	vst v6;
	v3 =	vmul.f32 $1.131370830e+01, v3  }
0xb3: {  	[tilespmem:s18+$0x12C20] =	vst v2;
	v0 =	vmul.f32 $1.131370830e+01, v0  }
0xb4: {  	[tilespmem:s18+$0x12C30] =	vst v3;
	v1 =	vmul.f32 $1.131370830e+01, v1  }
0xb5: {  	[tilespmem:s18+$0x12C40] =	vst v0;
	v0 =	vmul.f32 $1.131370830e+01, v5  }
0xb6: {  	s0 =	sshll.u32 s0, $0x4;
	[tilespmem:s18+$0x12C50] =	vst v1  }
0xb7: {  	s22 =	simm.s32 $0x12C00;
	s0 =	sadd.s32 s3, s0;
	[tilespmem:s18+$0x12C60] =	vst v0  }
0xb8: {  	[hbm4b:s0+s5] =	stream.linear.scatter [tilespmem:s22], [sflag:$0xB], $0x1400, $0x38;
	[tilespmem:$0x1A400] =	vst v63  }
0xb9: {  	s20 =	simm.s32 @!p1 $0x8C00;
	s18 =	simm.s32 @!p1 $0x28;
	s0 =	sadd.s32 @!p1 $0x190, s31  }
0xba: {  	[tilespmem:s20], [sflag:$0x3] =	stream.indirect.gather @!p1 [hbm4b:s2+s18], $0x80, s0, s18, $0xb8;
	[tilespmem:$0x1A400] =	vst v63  }
0xbb: {  	_ =	swait.ge [sflag:s21], $0x1400  }
0xbc: {  	[sflag:s21] =	ssyncset.done $0x0  }
0xbd: {  	s0 =	simm.s32 @!p0 $0xC;
	[sflag:s21] =	ssyncadd.s32 $0xFFFFEC00  }
0xbe: {  	_ =	swait.ge @!p0 [sflag:s0], $0x1400  }
0xbf: {  	[sflag:s0] =	ssyncset.done @!p0 $0x0  }
0xc0: {  	s20 =	simm.s32 $0x0;
	[sflag:s0] =	ssyncadd.s32 @!p0 $0xFFFFEC00  }
0xc1: {  	v1 =	vld [tilespmem:s20+$0xA070]  }
0xc2: {  	v5 =	vld [tilespmem:s20+$0xA000]  }
0xc3: {  	v6 =	vld [tilespmem:s20+$0xA010]  }
0xc4: {  	v4 =	vld [tilespmem:s20+$0xA020]  }
0xc5: {  	v3 =	vld [tilespmem:s20+$0xA030]  }
0xc6: {  	v0 =	vld [tilespmem:s20+$0xA040];
	v7 =	vmul.f32 $1.131370830e+01, v1  }
0xc7: {  	v1 =	vld [tilespmem:s20+$0xA050];
	v5 =	vmul.f32 $1.131370830e+01, v5  }
0xc8: {  	s22 =	simm.s32 $0x400;
	s18 =	simm.s32 $0x80;
	s0 =	sadd.s32 s14, s9;
	v2 =	vld [tilespmem:s20+$0xA060];
	v6 =	vmul.f32 $1.131370830e+01, v6;
	[tilespmem:s20+$0x14070] =	vst v7  }
.LBB2_9:
0xc9: {  	p2 =	sne.s32 s22, $0x4E00;
	v7 =	vld [tilespmem:s18+$0xA070];
	[tilespmem:s20+$0x14000] =	vst v5;
	v4 =	vmul.f32 $1.131370830e+01, v4  }
0xca: {  	v5 =	vld [tilespmem:s18+$0xA000];
	[tilespmem:s20+$0x14010] =	vst v6;
	v3 =	vmul.f32 $1.131370830e+01, v3  }
0xcb: {  	v6 =	vld [tilespmem:s18+$0xA010];
	[tilespmem:s20+$0x14020] =	vst v4;
	v0 =	vmul.f32 $1.131370830e+01, v0  }
.Ltmp5:
0xcc: {  	v4 =	vld [tilespmem:s18+$0xA020];
	[tilespmem:s20+$0x14030] =	vst v3;
	v1 =	vmul.f32 $1.131370830e+01, v1;
	(pc) =	sbr.rel @p2 .LBB2_9-.Ltmp5, $4  }
0xcd: {  	v3 =	vld [tilespmem:s18+$0xA030];
	[tilespmem:s20+$0x14040] =	vst v0;
	v2 =	vmul.f32 $1.131370830e+01, v2  }
0xce: {  	v0 =	vld [tilespmem:s18+$0xA040];
	v7 =	vmul.f32 $1.131370830e+01, v7;
	[tilespmem:s20+$0x14050] =	vst v1  }
0xcf: {  	v5 =	vmul.f32 $1.131370830e+01, v5;
	v1 =	vld [tilespmem:s18+$0xA050];
	[tilespmem:s20+$0x14060] =	vst v2;
	s20 =	smov.u32 s18  }
0xd0: {  	s18 =	sshra.s32 s22, $0x2;
	s22 =	sadd.s32 $0x200, s22;
	v6 =	vmul.f32 $1.131370830e+01, v6;
	v2 =	vld [tilespmem:s20+$0xA060];
	[tilespmem:s20+$0x14070] =	vst v7  }
0xd1: {  	v7 =	vld [tilespmem:s18+$0xA070];
	[tilespmem:s20+$0x14000] =	vst v5;
	v4 =	vmul.f32 $1.131370830e+01, v4  }
0xd2: {  	v5 =	vld [tilespmem:s18+$0xA000];
	[tilespmem:s20+$0x14010] =	vst v6;
	v3 =	vmul.f32 $1.131370830e+01, v3  }
0xd3: {  	v6 =	vld [tilespmem:s18+$0xA010];
	[tilespmem:s20+$0x14020] =	vst v4;
	v0 =	vmul.f32 $1.131370830e+01, v0  }
0xd4: {  	v4 =	vld [tilespmem:s18+$0xA020];
	[tilespmem:s20+$0x14030] =	vst v3;
	v1 =	vmul.f32 $1.131370830e+01, v1  }
0xd5: {  	v3 =	vld [tilespmem:s18+$0xA030];
	[tilespmem:s20+$0x14040] =	vst v0;
	v2 =	vmul.f32 $1.131370830e+01, v2  }
0xd6: {  	v0 =	vld [tilespmem:s18+$0xA040];
	[tilespmem:s20+$0x14050] =	vst v1;
	v7 =	vmul.f32 $1.131370830e+01, v7  }
0xd7: {  	v1 =	vld [tilespmem:s18+$0xA050];
	[tilespmem:s20+$0x14060] =	vst v2;
	v2 =	vmul.f32 $1.131370830e+01, v5  }
0xd8: {  	v5 =	vld [tilespmem:s18+$0xA060];
	v6 =	vmul.f32 $1.131370830e+01, v6;
	[tilespmem:s18+$0x14070] =	vst v7  }
0xd9: {  	[tilespmem:s18+$0x14000] =	vst v2;
	v2 =	vmul.f32 $1.131370830e+01, v4  }
0xda: {  	[tilespmem:s18+$0x14010] =	vst v6;
	v3 =	vmul.f32 $1.131370830e+01, v3  }
0xdb: {  	[tilespmem:s18+$0x14020] =	vst v2;
	v0 =	vmul.f32 $1.131370830e+01, v0  }
0xdc: {  	[tilespmem:s18+$0x14030] =	vst v3;
	v1 =	vmul.f32 $1.131370830e+01, v1  }
0xdd: {  	[tilespmem:s18+$0x14040] =	vst v0;
	v0 =	vmul.f32 $1.131370830e+01, v5  }
0xde: {  	s0 =	sshll.u32 s0, $0x4;
	[tilespmem:s18+$0x14050] =	vst v1  }
0xdf: {  	s22 =	simm.s32 $0x14000;
	s0 =	sadd.s32 s3, s0;
	[tilespmem:s18+$0x14060] =	vst v0  }
0xe0: {  	[hbm4b:s0+s5] =	stream.linear.scatter [tilespmem:s22], [sflag:$0xC], $0x1400, $0x38;
	[tilespmem:$0x1A400] =	vst v63  }
0xe1: {  	s20 =	simm.s32 @!p1 $0xA000;
	s18 =	simm.s32 @!p1 $0x28;
	s0 =	sadd.s32 @!p1 $0x1B8, s31  }
0xe2: {  	[tilespmem:s20], [sflag:$0x4] =	stream.indirect.gather @!p1 [hbm4b:s2+s18], $0x80, s0, s18, $0xb8;
	[tilespmem:$0x1A400] =	vst v63  }
0xe3: {  	_ =	swait.ge [sflag:s23], $0x1400  }
0xe4: {  	[sflag:s23] =	ssyncset.done $0x0  }
0xe5: {  	s0 =	simm.s32 @!p0 $0xD;
	[sflag:s23] =	ssyncadd.s32 $0xFFFFEC00  }
0xe6: {  	_ =	swait.ge @!p0 [sflag:s0], $0x1400  }
0xe7: {  	[sflag:s0] =	ssyncset.done @!p0 $0x0  }
0xe8: {  	s20 =	simm.s32 $0x0;
	[sflag:s0] =	ssyncadd.s32 @!p0 $0xFFFFEC00  }
0xe9: {  	v1 =	vld [tilespmem:s20+$0xB470]  }
0xea: {  	v5 =	vld [tilespmem:s20+$0xB400]  }
0xeb: {  	v6 =	vld [tilespmem:s20+$0xB410]  }
0xec: {  	v4 =	vld [tilespmem:s20+$0xB420]  }
0xed: {  	v3 =	vld [tilespmem:s20+$0xB430]  }
0xee: {  	v0 =	vld [tilespmem:s20+$0xB440];
	v7 =	vmul.f32 $1.131370830e+01, v1  }
0xef: {  	v1 =	vld [tilespmem:s20+$0xB450];
	v5 =	vmul.f32 $1.131370830e+01, v5  }
0xf0: {  	s22 =	simm.s32 $0x400;
	s18 =	simm.s32 $0x80;
	s0 =	sadd.s32 s14, s10;
	v2 =	vld [tilespmem:s20+$0xB460];
	v6 =	vmul.f32 $1.131370830e+01, v6;
	[tilespmem:s20+$0x15470] =	vst v7  }
.LBB2_11:
0xf1: {  	p2 =	sne.s32 s22, $0x4E00;
	v7 =	vld [tilespmem:s18+$0xB470];
	[tilespmem:s20+$0x15400] =	vst v5;
	v4 =	vmul.f32 $1.131370830e+01, v4  }
0xf2: {  	v5 =	vld [tilespmem:s18+$0xB400];
	[tilespmem:s20+$0x15410] =	vst v6;
	v3 =	vmul.f32 $1.131370830e+01, v3  }
0xf3: {  	v6 =	vld [tilespmem:s18+$0xB410];
	[tilespmem:s20+$0x15420] =	vst v4;
	v0 =	vmul.f32 $1.131370830e+01, v0  }
.Ltmp6:
0xf4: {  	v4 =	vld [tilespmem:s18+$0xB420];
	[tilespmem:s20+$0x15430] =	vst v3;
	v1 =	vmul.f32 $1.131370830e+01, v1;
	(pc) =	sbr.rel @p2 .LBB2_11-.Ltmp6, $4  }
0xf5: {  	v3 =	vld [tilespmem:s18+$0xB430];
	[tilespmem:s20+$0x15440] =	vst v0;
	v2 =	vmul.f32 $1.131370830e+01, v2  }
0xf6: {  	v0 =	vld [tilespmem:s18+$0xB440];
	v7 =	vmul.f32 $1.131370830e+01, v7;
	[tilespmem:s20+$0x15450] =	vst v1  }
0xf7: {  	v5 =	vmul.f32 $1.131370830e+01, v5;
	v1 =	vld [tilespmem:s18+$0xB450];
	[tilespmem:s20+$0x15460] =	vst v2;
	s20 =	smov.u32 s18  }
0xf8: {  	s18 =	sshra.s32 s22, $0x2;
	s22 =	sadd.s32 $0x200, s22;
	v6 =	vmul.f32 $1.131370830e+01, v6;
	v2 =	vld [tilespmem:s20+$0xB460];
	[tilespmem:s20+$0x15470] =	vst v7  }
0xf9: {  	v7 =	vld [tilespmem:s18+$0xB470];
	[tilespmem:s20+$0x15400] =	vst v5;
	v4 =	vmul.f32 $1.131370830e+01, v4  }
0xfa: {  	v5 =	vld [tilespmem:s18+$0xB400];
	[tilespmem:s20+$0x15410] =	vst v6;
	v3 =	vmul.f32 $1.131370830e+01, v3  }
0xfb: {  	v6 =	vld [tilespmem:s18+$0xB410];
	[tilespmem:s20+$0x15420] =	vst v4;
	v0 =	vmul.f32 $1.131370830e+01, v0  }
0xfc: {  	v4 =	vld [tilespmem:s18+$0xB420];
	[tilespmem:s20+$0x15430] =	vst v3;
	v1 =	vmul.f32 $1.131370830e+01, v1  }
0xfd: {  	v3 =	vld [tilespmem:s18+$0xB430];
	[tilespmem:s20+$0x15440] =	vst v0;
	v2 =	vmul.f32 $1.131370830e+01, v2  }
0xfe: {  	v0 =	vld [tilespmem:s18+$0xB440];
	[tilespmem:s20+$0x15450] =	vst v1;
	v7 =	vmul.f32 $1.131370830e+01, v7  }
0xff: {  	v1 =	vld [tilespmem:s18+$0xB450];
	[tilespmem:s20+$0x15460] =	vst v2;
	v2 =	vmul.f32 $1.131370830e+01, v5  }
0x100: {  	v5 =	vld [tilespmem:s18+$0xB460];
	v6 =	vmul.f32 $1.131370830e+01, v6;
	[tilespmem:s18+$0x15470] =	vst v7  }
0x101: {  	[tilespmem:s18+$0x15400] =	vst v2;
	v2 =	vmul.f32 $1.131370830e+01, v4  }
0x102: {  	[tilespmem:s18+$0x15410] =	vst v6;
	v3 =	vmul.f32 $1.131370830e+01, v3  }
0x103: {  	[tilespmem:s18+$0x15420] =	vst v2;
	v0 =	vmul.f32 $1.131370830e+01, v0  }
0x104: {  	[tilespmem:s18+$0x15430] =	vst v3;
	v1 =	vmul.f32 $1.131370830e+01, v1  }
0x105: {  	[tilespmem:s18+$0x15440] =	vst v0;
	v0 =	vmul.f32 $1.131370830e+01, v5  }
0x106: {  	s0 =	sshll.u32 s0, $0x4;
	[tilespmem:s18+$0x15450] =	vst v1  }
0x107: {  	s0 =	sadd.s32 s3, s0;
	[tilespmem:s18+$0x15460] =	vst v0  }
0x108: {  	[hbm4b:s0+s5] =	stream.linear.scatter [tilespmem:s24], [sflag:$0xD], $0x1400, $0x38;
	[tilespmem:$0x1A400] =	vst v63  }
0x109: {  	s20 =	simm.s32 @!p1 $0xB400;
	s18 =	simm.s32 @!p1 $0x28;
	s0 =	sadd.s32 @!p1 $0x1E0, s31  }
0x10a: {  	[tilespmem:s20], [sflag:$0x5] =	stream.indirect.gather @!p1 [hbm4b:s2+s18], $0x80, s0, s18, $0xb8;
	[tilespmem:$0x1A400] =	vst v63  }
0x10b: {  	_ =	swait.ge [sflag:s25], $0x1400  }
0x10c: {  	[sflag:s25] =	ssyncset.done $0x0  }
0x10d: {  	s0 =	simm.s32 @!p0 $0xE;
	[sflag:s25] =	ssyncadd.s32 $0xFFFFEC00  }
0x10e: {  	_ =	swait.ge @!p0 [sflag:s0], $0x1400  }
0x10f: {  	[sflag:s0] =	ssyncset.done @!p0 $0x0  }
0x110: {  	s20 =	simm.s32 $0x0;
	[sflag:s0] =	ssyncadd.s32 @!p0 $0xFFFFEC00  }
0x111: {  	v1 =	vld [tilespmem:s20+$0xC870]  }
0x112: {  	v5 =	vld [tilespmem:s20+$0xC800]  }
0x113: {  	v6 =	vld [tilespmem:s20+$0xC810]  }
0x114: {  	v4 =	vld [tilespmem:s20+$0xC820]  }
0x115: {  	v3 =	vld [tilespmem:s20+$0xC830]  }
0x116: {  	v0 =	vld [tilespmem:s20+$0xC840];
	v7 =	vmul.f32 $1.131370830e+01, v1  }
0x117: {  	v1 =	vld [tilespmem:s20+$0xC850];
	v5 =	vmul.f32 $1.131370830e+01, v5  }
0x118: {  	s22 =	simm.s32 $0x400;
	s18 =	simm.s32 $0x80;
	s0 =	sadd.s32 s14, s11;
	v2 =	vld [tilespmem:s20+$0xC860];
	v6 =	vmul.f32 $1.131370830e+01, v6;
	[tilespmem:s20+$0x16870] =	vst v7  }
.LBB2_13:
0x119: {  	p2 =	sne.s32 s22, $0x4E00;
	v7 =	vld [tilespmem:s18+$0xC870];
	[tilespmem:s20+$0x16800] =	vst v5;
	v4 =	vmul.f32 $1.131370830e+01, v4  }
0x11a: {  	v5 =	vld [tilespmem:s18+$0xC800];
	[tilespmem:s20+$0x16810] =	vst v6;
	v3 =	vmul.f32 $1.131370830e+01, v3  }
0x11b: {  	v6 =	vld [tilespmem:s18+$0xC810];
	[tilespmem:s20+$0x16820] =	vst v4;
	v0 =	vmul.f32 $1.131370830e+01, v0  }
.Ltmp7:
0x11c: {  	v4 =	vld [tilespmem:s18+$0xC820];
	[tilespmem:s20+$0x16830] =	vst v3;
	v1 =	vmul.f32 $1.131370830e+01, v1;
	(pc) =	sbr.rel @p2 .LBB2_13-.Ltmp7, $4  }
0x11d: {  	v3 =	vld [tilespmem:s18+$0xC830];
	[tilespmem:s20+$0x16840] =	vst v0;
	v2 =	vmul.f32 $1.131370830e+01, v2  }
0x11e: {  	v0 =	vld [tilespmem:s18+$0xC840];
	v7 =	vmul.f32 $1.131370830e+01, v7;
	[tilespmem:s20+$0x16850] =	vst v1  }
0x11f: {  	v5 =	vmul.f32 $1.131370830e+01, v5;
	v1 =	vld [tilespmem:s18+$0xC850];
	[tilespmem:s20+$0x16860] =	vst v2;
	s20 =	smov.u32 s18  }
0x120: {  	s18 =	sshra.s32 s22, $0x2;
	s22 =	sadd.s32 $0x200, s22;
	v6 =	vmul.f32 $1.131370830e+01, v6;
	v2 =	vld [tilespmem:s20+$0xC860];
	[tilespmem:s20+$0x16870] =	vst v7  }
0x121: {  	v7 =	vld [tilespmem:s18+$0xC870];
	[tilespmem:s20+$0x16800] =	vst v5;
	v4 =	vmul.f32 $1.131370830e+01, v4  }
0x122: {  	v5 =	vld [tilespmem:s18+$0xC800];
	[tilespmem:s20+$0x16810] =	vst v6;
	v3 =	vmul.f32 $1.131370830e+01, v3  }
0x123: {  	v6 =	vld [tilespmem:s18+$0xC810];
	[tilespmem:s20+$0x16820] =	vst v4;
	v0 =	vmul.f32 $1.131370830e+01, v0  }
0x124: {  	v4 =	vld [tilespmem:s18+$0xC820];
	[tilespmem:s20+$0x16830] =	vst v3;
	v1 =	vmul.f32 $1.131370830e+01, v1  }
0x125: {  	v3 =	vld [tilespmem:s18+$0xC830];
	[tilespmem:s20+$0x16840] =	vst v0;
	v2 =	vmul.f32 $1.131370830e+01, v2  }
0x126: {  	v0 =	vld [tilespmem:s18+$0xC840];
	[tilespmem:s20+$0x16850] =	vst v1;
	v7 =	vmul.f32 $1.131370830e+01, v7  }
0x127: {  	v1 =	vld [tilespmem:s18+$0xC850];
	[tilespmem:s20+$0x16860] =	vst v2;
	v2 =	vmul.f32 $1.131370830e+01, v5  }
0x128: {  	v5 =	vld [tilespmem:s18+$0xC860];
	v6 =	vmul.f32 $1.131370830e+01, v6;
	[tilespmem:s18+$0x16870] =	vst v7  }
0x129: {  	[tilespmem:s18+$0x16800] =	vst v2;
	v2 =	vmul.f32 $1.131370830e+01, v4  }
0x12a: {  	[tilespmem:s18+$0x16810] =	vst v6;
	v3 =	vmul.f32 $1.131370830e+01, v3  }
0x12b: {  	[tilespmem:s18+$0x16820] =	vst v2;
	v0 =	vmul.f32 $1.131370830e+01, v0  }
0x12c: {  	[tilespmem:s18+$0x16830] =	vst v3;
	v1 =	vmul.f32 $1.131370830e+01, v1  }
0x12d: {  	[tilespmem:s18+$0x16840] =	vst v0;
	v0 =	vmul.f32 $1.131370830e+01, v5  }
0x12e: {  	s0 =	sshll.u32 s0, $0x4;
	[tilespmem:s18+$0x16850] =	vst v1  }
0x12f: {  	s0 =	sadd.s32 s3, s0;
	[tilespmem:s18+$0x16860] =	vst v0  }
0x130: {  	[hbm4b:s0+s5] =	stream.linear.scatter [tilespmem:s26], [sflag:$0xE], $0x1400, $0x38;
	[tilespmem:$0x1A400] =	vst v63  }
0x131: {  	s20 =	simm.s32 @!p1 $0xC800;
	s18 =	simm.s32 @!p1 $0x28;
	s0 =	sadd.s32 @!p1 $0x208, s31  }
0x132: {  	[tilespmem:s20], [sflag:$0x6] =	stream.indirect.gather @!p1 [hbm4b:s2+s18], $0x80, s0, s18, $0xb8;
	[tilespmem:$0x1A400] =	vst v63  }
0x133: {  	_ =	swait.ge [sflag:s28], $0x1400  }
0x134: {  	[sflag:s28] =	ssyncset.done $0x0  }
0x135: {  	s0 =	simm.s32 @!p0 $0xF;
	[sflag:s28] =	ssyncadd.s32 $0xFFFFEC00  }
0x136: {  	_ =	swait.ge @!p0 [sflag:s0], $0x1400  }
0x137: {  	[sflag:s0] =	ssyncset.done @!p0 $0x0  }
0x138: {  	s20 =	simm.s32 $0x0;
	[sflag:s0] =	ssyncadd.s32 @!p0 $0xFFFFEC00  }
0x139: {  	v1 =	vld [tilespmem:s20+$0xDC70]  }
0x13a: {  	v5 =	vld [tilespmem:s20+$0xDC00]  }
0x13b: {  	v6 =	vld [tilespmem:s20+$0xDC10]  }
0x13c: {  	v4 =	vld [tilespmem:s20+$0xDC20]  }
0x13d: {  	v3 =	vld [tilespmem:s20+$0xDC30]  }
0x13e: {  	v0 =	vld [tilespmem:s20+$0xDC40];
	v7 =	vmul.f32 $1.131370830e+01, v1  }
0x13f: {  	v1 =	vld [tilespmem:s20+$0xDC50];
	v5 =	vmul.f32 $1.131370830e+01, v5  }
0x140: {  	s22 =	simm.s32 $0x400;
	s18 =	simm.s32 $0x80;
	s0 =	sadd.s32 s14, s12;
	v2 =	vld [tilespmem:s20+$0xDC60];
	v6 =	vmul.f32 $1.131370830e+01, v6;
	[tilespmem:s20+$0x17C70] =	vst v7  }
.LBB2_15:
0x141: {  	p2 =	sne.s32 s22, $0x4E00;
	v7 =	vld [tilespmem:s18+$0xDC70];
	[tilespmem:s20+$0x17C00] =	vst v5;
	v4 =	vmul.f32 $1.131370830e+01, v4  }
0x142: {  	v5 =	vld [tilespmem:s18+$0xDC00];
	[tilespmem:s20+$0x17C10] =	vst v6;
	v3 =	vmul.f32 $1.131370830e+01, v3  }
0x143: {  	v6 =	vld [tilespmem:s18+$0xDC10];
	[tilespmem:s20+$0x17C20] =	vst v4;
	v0 =	vmul.f32 $1.131370830e+01, v0  }
.Ltmp8:
0x144: {  	v4 =	vld [tilespmem:s18+$0xDC20];
	[tilespmem:s20+$0x17C30] =	vst v3;
	v1 =	vmul.f32 $1.131370830e+01, v1;
	(pc) =	sbr.rel @p2 .LBB2_15-.Ltmp8, $4  }
0x145: {  	v3 =	vld [tilespmem:s18+$0xDC30];
	[tilespmem:s20+$0x17C40] =	vst v0;
	v2 =	vmul.f32 $1.131370830e+01, v2  }
0x146: {  	v0 =	vld [tilespmem:s18+$0xDC40];
	v7 =	vmul.f32 $1.131370830e+01, v7;
	[tilespmem:s20+$0x17C50] =	vst v1  }
0x147: {  	v5 =	vmul.f32 $1.131370830e+01, v5;
	v1 =	vld [tilespmem:s18+$0xDC50];
	[tilespmem:s20+$0x17C60] =	vst v2;
	s20 =	smov.u32 s18  }
0x148: {  	s18 =	sshra.s32 s22, $0x2;
	s22 =	sadd.s32 $0x200, s22;
	v6 =	vmul.f32 $1.131370830e+01, v6;
	v2 =	vld [tilespmem:s20+$0xDC60];
	[tilespmem:s20+$0x17C70] =	vst v7  }
0x149: {  	v7 =	vld [tilespmem:s18+$0xDC70];
	[tilespmem:s20+$0x17C00] =	vst v5;
	v4 =	vmul.f32 $1.131370830e+01, v4  }
0x14a: {  	v5 =	vld [tilespmem:s18+$0xDC00];
	[tilespmem:s20+$0x17C10] =	vst v6;
	v3 =	vmul.f32 $1.131370830e+01, v3  }
0x14b: {  	v6 =	vld [tilespmem:s18+$0xDC10];
	[tilespmem:s20+$0x17C20] =	vst v4;
	v0 =	vmul.f32 $1.131370830e+01, v0  }
0x14c: {  	v4 =	vld [tilespmem:s18+$0xDC20];
	[tilespmem:s20+$0x17C30] =	vst v3;
	v1 =	vmul.f32 $1.131370830e+01, v1  }
0x14d: {  	v3 =	vld [tilespmem:s18+$0xDC30];
	[tilespmem:s20+$0x17C40] =	vst v0;
	v2 =	vmul.f32 $1.131370830e+01, v2  }
0x14e: {  	v0 =	vld [tilespmem:s18+$0xDC40];
	[tilespmem:s20+$0x17C50] =	vst v1;
	v7 =	vmul.f32 $1.131370830e+01, v7  }
0x14f: {  	v1 =	vld [tilespmem:s18+$0xDC50];
	[tilespmem:s20+$0x17C60] =	vst v2;
	v2 =	vmul.f32 $1.131370830e+01, v5  }
0x150: {  	v5 =	vld [tilespmem:s18+$0xDC60];
	v6 =	vmul.f32 $1.131370830e+01, v6;
	[tilespmem:s18+$0x17C70] =	vst v7  }
0x151: {  	[tilespmem:s18+$0x17C00] =	vst v2;
	v2 =	vmul.f32 $1.131370830e+01, v4  }
0x152: {  	[tilespmem:s18+$0x17C10] =	vst v6;
	v3 =	vmul.f32 $1.131370830e+01, v3  }
0x153: {  	[tilespmem:s18+$0x17C20] =	vst v2;
	v0 =	vmul.f32 $1.131370830e+01, v0  }
0x154: {  	[tilespmem:s18+$0x17C30] =	vst v3;
	v1 =	vmul.f32 $1.131370830e+01, v1  }
0x155: {  	[tilespmem:s18+$0x17C40] =	vst v0;
	v0 =	vmul.f32 $1.131370830e+01, v5  }
0x156: {  	s0 =	sshll.u32 s0, $0x4;
	[tilespmem:s18+$0x17C50] =	vst v1  }
0x157: {  	s0 =	sadd.s32 s3, s0;
	[tilespmem:s18+$0x17C60] =	vst v0  }
0x158: {  	[hbm4b:s0+s5] =	stream.linear.scatter [tilespmem:s29], [sflag:$0xF], $0x1400, $0x38;
	[tilespmem:$0x1A400] =	vst v63  }
0x159: {  	s20 =	simm.s32 @!p1 $0xDC00;
	s18 =	simm.s32 @!p1 $0x28;
	s0 =	sadd.s32 @!p1 $0x230, s31  }
0x15a: {  	[tilespmem:s20], [sflag:$0x7] =	stream.indirect.gather @!p1 [hbm4b:s2+s18], $0x80, s0, s18, $0xb8;
	[tilespmem:$0x1A400] =	vst v63  }
0x15b: {  	_ =	swait.ge [sflag:s30], $0x1400  }
0x15c: {  	[sflag:s30] =	ssyncset.done $0x0  }
0x15d: {  	s0 =	simm.s32 @!p0 $0x10;
	[sflag:s30] =	ssyncadd.s32 $0xFFFFEC00  }
0x15e: {  	_ =	swait.ge @!p0 [sflag:s0], $0x1400  }
0x15f: {  	[sflag:s0] =	ssyncset.done @!p0 $0x0  }
0x160: {  	s18 =	simm.s32 $0x0;
	[sflag:s0] =	ssyncadd.s32 @!p0 $0xFFFFEC00  }
0x161: {  	v1 =	vld [tilespmem:s18+$0xF070]  }
0x162: {  	v5 =	vld [tilespmem:s18+$0xF000]  }
0x163: {  	v6 =	vld [tilespmem:s18+$0xF010]  }
0x164: {  	v4 =	vld [tilespmem:s18+$0xF020]  }
0x165: {  	v3 =	vld [tilespmem:s18+$0xF030]  }
0x166: {  	v0 =	vld [tilespmem:s18+$0xF040];
	v7 =	vmul.f32 $1.131370830e+01, v1  }
0x167: {  	v1 =	vld [tilespmem:s18+$0xF050];
	v5 =	vmul.f32 $1.131370830e+01, v5  }
0x168: {  	s20 =	simm.s32 $0x400;
	s0 =	sadd.s32 s14, s13;
	s14 =	simm.s32 $0x80;
	v2 =	vld [tilespmem:s18+$0xF060];
	v6 =	vmul.f32 $1.131370830e+01, v6;
	[tilespmem:s18+$0x19070] =	vst v7  }
.LBB2_17:
0x169: {  	p0 =	sne.s32 s20, $0x4E00;
	v7 =	vld [tilespmem:s14+$0xF070];
	[tilespmem:s18+$0x19000] =	vst v5;
	v4 =	vmul.f32 $1.131370830e+01, v4  }
0x16a: {  	v5 =	vld [tilespmem:s14+$0xF000];
	[tilespmem:s18+$0x19010] =	vst v6;
	v3 =	vmul.f32 $1.131370830e+01, v3  }
0x16b: {  	v6 =	vld [tilespmem:s14+$0xF010];
	[tilespmem:s18+$0x19020] =	vst v4;
	v0 =	vmul.f32 $1.131370830e+01, v0  }
.Ltmp9:
0x16c: {  	v4 =	vld [tilespmem:s14+$0xF020];
	[tilespmem:s18+$0x19030] =	vst v3;
	v1 =	vmul.f32 $1.131370830e+01, v1;
	(pc) =	sbr.rel @p0 .LBB2_17-.Ltmp9, $4  }
0x16d: {  	v3 =	vld [tilespmem:s14+$0xF030];
	[tilespmem:s18+$0x19040] =	vst v0;
	v2 =	vmul.f32 $1.131370830e+01, v2  }
0x16e: {  	v0 =	vld [tilespmem:s14+$0xF040];
	v7 =	vmul.f32 $1.131370830e+01, v7;
	[tilespmem:s18+$0x19050] =	vst v1  }
0x16f: {  	v5 =	vmul.f32 $1.131370830e+01, v5;
	v1 =	vld [tilespmem:s14+$0xF050];
	[tilespmem:s18+$0x19060] =	vst v2;
	s18 =	smov.u32 s14  }
0x170: {  	s14 =	sshra.s32 s20, $0x2;
	s20 =	sadd.s32 $0x200, s20;
	v6 =	vmul.f32 $1.131370830e+01, v6;
	v2 =	vld [tilespmem:s18+$0xF060];
	[tilespmem:s18+$0x19070] =	vst v7  }
0x171: {  	v7 =	vld [tilespmem:s14+$0xF070];
	[tilespmem:s18+$0x19000] =	vst v5;
	v4 =	vmul.f32 $1.131370830e+01, v4  }
0x172: {  	v5 =	vld [tilespmem:s14+$0xF000];
	[tilespmem:s18+$0x19010] =	vst v6;
	v3 =	vmul.f32 $1.131370830e+01, v3  }
0x173: {  	v6 =	vld [tilespmem:s14+$0xF010];
	[tilespmem:s18+$0x19020] =	vst v4;
	v0 =	vmul.f32 $1.131370830e+01, v0  }
0x174: {  	v4 =	vld [tilespmem:s14+$0xF020];
	[tilespmem:s18+$0x19030] =	vst v3;
	v1 =	vmul.f32 $1.131370830e+01, v1  }
0x175: {  	v3 =	vld [tilespmem:s14+$0xF030];
	[tilespmem:s18+$0x19040] =	vst v0;
	v2 =	vmul.f32 $1.131370830e+01, v2  }
0x176: {  	v0 =	vld [tilespmem:s14+$0xF040];
	[tilespmem:s18+$0x19050] =	vst v1;
	v7 =	vmul.f32 $1.131370830e+01, v7  }
0x177: {  	v1 =	vld [tilespmem:s14+$0xF050];
	[tilespmem:s18+$0x19060] =	vst v2;
	v60 =	vmul.f32 $1.131370830e+01, v5  }
0x178: {  	v61 =	vld [tilespmem:s14+$0xF060];
	v6 =	vmul.f32 $1.131370830e+01, v6;
	[tilespmem:s14+$0x19070] =	vst v7  }
0x179: {  	[tilespmem:s14+$0x19000] =	vst v60;
	v62 =	vmul.f32 $1.131370830e+01, v4  }
0x17a: {  	[tilespmem:s14+$0x19010] =	vst v6;
	v3 =	vmul.f32 $1.131370830e+01, v3  }
0x17b: {  	[tilespmem:s14+$0x19020] =	vst v62;
	v0 =	vmul.f32 $1.131370830e+01, v0  }
.Ltmp10:
0x17c: {  	[tilespmem:s14+$0x19030] =	vst v3;
	v1 =	vmul.f32 $1.131370830e+01, v1;
	(pc) =	sbr.rel @p1 .LBB2_20-.Ltmp10, $4  }
0x17d: {  	[tilespmem:s14+$0x19040] =	vst v0;
	v63 =	vmul.f32 $1.131370830e+01, v61  }
0x17e: {  	s0 =	sshll.u32 s0, $0x4;
	[tilespmem:s14+$0x19050] =	vst v1  }
0x17f: {  	s0 =	sadd.s32 s3, s0;
	[tilespmem:s14+$0x19060] =	vst v63  }
0x180: {  	[hbm4b:s0+s5] =	stream.linear.scatter [tilespmem:s6], [sflag:$0x10], $0x1400, $0x38;
	[tilespmem:$0x1A400] =	vst v63  }
0x181: {  	s0 =	smul.u32 $0x500, s15  }
.Ltmp11:
0x182: {  	_ = 	snop;
	(pc) =	sbr.rel .LBB2_2-.Ltmp11, $4  }
0x183: {  	_ = 	snop  }
0x184: {  	s0 =	sshra.s32 s0, $0x2  }
0x185: {  	s14 =	simm.s32 $0xF000;
	s15 =	sadd.s32 $0x1, s15;
	s0 =	sadd.s32 $0x258, s0  }
0x186: {  	[tilespmem:s14], [sflag:$0x8] =	stream.indirect.gather [hbm4b:s2+s16], $0x80, s0, s16, $0xb8;
	[tilespmem:$0x1A400] =	vst v63  }
.LBB2_21:
0x187: {  	_ =	sfence.sel $0x180000  }
0x188: {  	[bflag:$0x0] =	sbarrier.arrive $0xFFFF  }
0x189: {  	_ =	strace $0x90000047  }
0x18a: {  	s0 =	stileid.u32;
	[bflag:$0x2] =	sbarrier.arrive $0xFFFF  }
0x18b: {  	p0 =	sne.s32 s0, $0x0;
	s0 =	rddreg [dreg:$0x3]  }
0x18c: {  	s0 =	sadd.s32 @!p0 $0x100000, s0  }
0x18d: {  	[sflag:s0] =	ssyncadd.tile.s32 @!p0 $0x1;
	_ =	shalt  }
.Lfunc_end2:
_tile_overlayer_lowered:
.L_overlay_start_2:
0x18e: {  	(tag) =	ssettag $0x2  }
0x18f: {  	s0 =	rddreg [dreg:$0x0];
	s2 =	stileid.u32  }
0x190: {  	s1 =	rddreg [dreg:$0x1];
	p0 =	sne.s32 s2, $0x0  }
0x191: {  	s3 =	rddreg [dreg:$0x2];
	[bflag:$0x3] =	sbarrier.arrive $0xFFFF;
	s2 =	simm.s32 @!p0 $0x1C11  }
0x192: {  	[timem:s3], [sflag:s2] =	dma.local @!p0 [hbm:s0], s1  }
0x193: {  	s0 =	simm.s32 @!p0 $0x11  }
0x194: {  	_ =	swait.ge @!p0 [sflag:s0], s1  }
0x195: {  	s1 =	ssub.s32 @!p0 $0x0, s1;
	[sflag:s0] =	ssyncset.done @!p0 $0x0  }
0x196: {  	[sflag:s0] =	ssyncadd.s32 @!p0 s1  }
0x197: {  	[bflag:$0x3] =	sbarrier.arrive $0xFFFF  }
0x198: {  	_ =	shalt  }

</sc_bundles>
